<compile_context>
chip_gen: v7x
topology: tpu7x:2x2x1
jax: 0.10.2.dev20260603
libtpu: 0.0.44.dev20260713+nightly
codegen_flags: <defaults>
</compile_context>

<pallas_src>
import functools

import jax
import jax.numpy as jnp
from jax import lax
from jax.experimental import pallas as pl
from jax.experimental.pallas import tpu as pltpu
from jax.experimental.pallas import tpu_sc as plsc

NC = 2
NS = 16
NW = NC * NS
CHUNK = 128
NBUF = 6
PFD = 3

_MESH = dict(core_axis_name="c", subcore_axis_name="s", num_cores=NC,
             num_subcores=NS)


def _deg_kernel_body(cpw_deg, rpt, col_hbm, deg_out, colv, ones_v, zer_v,
                     hist):
  cid = lax.axis_index("c")
  sid = lax.axis_index("s")
  wid = sid * NC + cid

  for i in range(CHUNK // 16):
    ones_v[pl.ds(i * 16, 16)] = jnp.ones((16,), jnp.float32)
  for i in range(rpt // 16):
    zer_v[pl.ds(i * 16, 16)] = jnp.zeros((16,), jnp.float32)
  pltpu.sync_copy(zer_v, hist.at[pl.ds(sid * rpt, rpt)])
  pltpu.sync_copy(col_hbm.at[wid], colv)
  plsc.subcore_barrier()

  def body(j, carry):
    pltpu.sync_copy(ones_v, hist.at[colv.at[j]], add=True)
    return carry

  lax.fori_loop(0, cpw_deg, body, 0)
  plsc.subcore_barrier()
  pltpu.sync_copy(hist.at[pl.ds(sid * rpt, rpt)],
                  deg_out.at[cid, pl.ds(sid * rpt, rpt)])


def _agg_kernel_body(cpw, rpt, hd, y0_hbm, y1_hbm, rc_hbm, z_hbm,
                     out0_hbm, out1_hbm, rcv, buf, acc, gsems, ssems):
  cid = lax.axis_index("c")
  sid = lax.axis_index("s")

  pltpu.sync_copy(z_hbm, acc.at[pl.ds(sid * rpt, rpt)])
  pltpu.sync_copy(rc_hbm.at[sid], rcv)
  plsc.subcore_barrier()

  def prime(j, carry):
    @pl.when(cid == 0)
    def _():
      pltpu.async_copy(y0_hbm.at[rcv.at[0, j]], buf.at[j], gsems.at[j])

    @pl.when(cid == 1)
    def _():
      pltpu.async_copy(y1_hbm.at[rcv.at[0, j]], buf.at[j], gsems.at[j])

    return carry

  lax.fori_loop(0, PFD, prime, 0)

  def body(j, carry):
    par = lax.rem(j, NBUF)
    par2 = lax.rem(j + PFD, NBUF)
    pltpu.make_async_copy(y0_hbm.at[pl.ds(0, CHUNK)], buf.at[par],
                          gsems.at[par]).wait()
    pltpu.async_copy(buf.at[par], acc.at[rcv.at[1, j]], ssems.at[par],
                     add=True)

    @pl.when(j >= PFD)
    def _():
      pltpu.make_async_copy(y0_hbm.at[pl.ds(0, CHUNK)], buf.at[par2],
                            ssems.at[par2]).wait()

    @pl.when(jnp.logical_and(j + PFD < cpw, cid == 0))
    def _():
      pltpu.async_copy(y0_hbm.at[rcv.at[0, j + PFD]], buf.at[par2],
                       gsems.at[par2])

    @pl.when(jnp.logical_and(j + PFD < cpw, cid == 1))
    def _():
      pltpu.async_copy(y1_hbm.at[rcv.at[0, j + PFD]], buf.at[par2],
                       gsems.at[par2])

    return carry

  lax.fori_loop(0, cpw, body, 0)

  def drain(i, carry):
    par = lax.rem(cpw - PFD + i, NBUF)
    pltpu.make_async_copy(y0_hbm.at[pl.ds(0, CHUNK)], buf.at[par],
                          ssems.at[par]).wait()
    return carry

  lax.fori_loop(0, PFD, drain, 0)
  plsc.subcore_barrier()

  @pl.when(cid == 0)
  def _():
    pltpu.sync_copy(acc.at[pl.ds(sid * rpt, rpt)],
                    out0_hbm.at[pl.ds(sid * rpt, rpt)])

  @pl.when(cid == 1)
  def _():
    pltpu.sync_copy(acc.at[pl.ds(sid * rpt, rpt)],
                    out1_hbm.at[pl.ds(sid * rpt, rpt)])


def _matmul_body(xb, degb, wb, yb0, yb1):
  deg = degb[0, :] + degb[1, :] + 1.0
  dis = lax.rsqrt(deg)
  res = jnp.dot(xb[...], wb[...],
                preferred_element_type=jnp.float32) * dis[:, None]
  hd = res.shape[1] // 2
  yb0[...] = res[:, :hd]
  yb1[...] = res[:, hd:]


def _finish_body(a0b, a1b, y0b, y1b, degb, bb, ab, zb):
  deg = degb[0, :] + degb[1, :] + 1.0
  dis = lax.rsqrt(deg)
  acc = jnp.concatenate([a0b[...] + y0b[...], a1b[...] + y1b[...]], axis=1)
  s = acc * dis[:, None] + bb[...]
  zb[...] = jnp.where(s >= 0, s, ab[...] * s)


def kernel(x, edge_index, W, b, alpha):
  n = x.shape[0]
  e = edge_index.shape[1]
  d = x.shape[1]
  hd = d // 2

  nacc = 10240
  rpt = nacc // NS

  cpw = -(-e // (NS * CHUNK))
  cpw += -cpw % 2
  epad = NS * cpw * CHUNK - e
  row = jnp.concatenate(
      [edge_index[0], jnp.zeros((epad,), jnp.int32)]).reshape(NS, 1, cpw,
                                                             CHUNK)
  pad_cols = n + jnp.arange(epad, dtype=jnp.int32) % (nacc - n)
  col = jnp.concatenate(
      [edge_index[1], pad_cols]).reshape(NS, 1, cpw, CHUNK)
  rc = jnp.concatenate([row, col], axis=1)

  cpw_deg = -(-e // (NW * CHUNK))
  epad_deg = NW * cpw_deg * CHUNK - e
  pad_cols_deg = n + jnp.arange(epad_deg, dtype=jnp.int32) % (nacc - n)
  col_deg = jnp.concatenate(
      [edge_index[1], pad_cols_deg]).reshape(NW, cpw_deg, CHUNK)

  zeros_rows = jnp.zeros((rpt, hd), jnp.float32)

  mesh = plsc.VectorSubcoreMesh(**_MESH)

  deg_fn = pl.kernel(
      functools.partial(_deg_kernel_body, cpw_deg, rpt),
      out_type=jax.ShapeDtypeStruct((NC, nacc), jnp.float32),
      mesh=mesh,
      scratch_types=[
          pltpu.VMEM((cpw_deg, CHUNK), jnp.int32),
          pltpu.VMEM((CHUNK,), jnp.float32),
          pltpu.VMEM((rpt,), jnp.float32),
          pltpu.VMEM_SHARED((nacc,), jnp.float32),
      ])
  deg = deg_fn(col_deg)

  y0, y1 = pl.pallas_call(
      _matmul_body,
      grid=(nacc // 1024,),
      in_specs=[
          pl.BlockSpec((1024, d), lambda i: (i, 0)),
          pl.BlockSpec((NC, 1024), lambda i: (0, i)),
          pl.BlockSpec((d, d), lambda i: (0, 0)),
      ],
      out_specs=[
          pl.BlockSpec((1024, hd), lambda i: (i, 0)),
          pl.BlockSpec((1024, hd), lambda i: (i, 0)),
      ],
      out_shape=[
          jax.ShapeDtypeStruct((nacc, hd), jnp.float32),
          jax.ShapeDtypeStruct((nacc, hd), jnp.float32),
      ],
  )(x, deg, W)

  agg_fn = pl.kernel(
      functools.partial(_agg_kernel_body, cpw, rpt, hd),
      out_type=[
          jax.ShapeDtypeStruct((nacc, hd), jnp.float32),
          jax.ShapeDtypeStruct((nacc, hd), jnp.float32),
      ],
      mesh=mesh,
      scratch_types=[
          pltpu.VMEM((2, cpw, CHUNK), jnp.int32),
          pltpu.VMEM((NBUF, CHUNK, hd), jnp.float32),
          pltpu.VMEM_SHARED((nacc, hd), jnp.float32),
          pltpu.SemaphoreType.DMA((NBUF,)),
          pltpu.SemaphoreType.DMA((NBUF,)),
      ],
      compiler_params=pltpu.CompilerParams(use_tc_tiling_on_sc=False))
  acc0, acc1 = agg_fn(y0, y1, rc, zeros_rows)

  z = pl.pallas_call(
      _finish_body,
      grid=(nacc // 1024,),
      in_specs=[
          pl.BlockSpec((1024, hd), lambda i: (i, 0)),
          pl.BlockSpec((1024, hd), lambda i: (i, 0)),
          pl.BlockSpec((1024, hd), lambda i: (i, 0)),
          pl.BlockSpec((1024, hd), lambda i: (i, 0)),
          pl.BlockSpec((NC, 1024), lambda i: (0, i)),
          pl.BlockSpec((1, d), lambda i: (0, 0)),
          pl.BlockSpec((1, d), lambda i: (0, 0)),
      ],
      out_specs=pl.BlockSpec((1024, d), lambda i: (i, 0)),
      out_shape=jax.ShapeDtypeStruct((n, d), jnp.float32),
  )(acc0, acc1, y0, y1, deg, b.reshape(1, d), alpha.reshape(1, d))

  return z

# --- scband reference (transcript-rebuilt; emitter-appended) ---
"""Pipeline reference for scband-gcn-10007273799959 (READ-ONLY COPY).

The authoritative reference and input builder live on the scoring server;
editing this copy changes nothing except your own understanding.
"""

import jax, jax.numpy as jnp
import numpy as np

N = 10000
E = 320000
D = 128

def setup_inputs(seed: int = 0) -> dict:
    key = jax.random.key(seed)
    k1, k2, k3, k4 = jax.random.split(key, 4)
    x = jax.random.normal(k1, (N, D), dtype=jnp.float32)
    edge_index = jax.random.randint(k2, (2, E), 0, N, dtype=jnp.int32)
    # GCNConv learned parameters (in_channels=128, out_channels=128, bias=True)
    W = jax.random.normal(k3, (D, D), dtype=jnp.float32) * (1.0 / np.sqrt(D))
    b = jax.random.normal(k4, (D,), dtype=jnp.float32) * 0.01
    # PReLU per-channel weight (torch default init 0.25)
    alpha = jnp.full((D,), 0.25, dtype=jnp.float32)
    return {"x": x, "edge_index": edge_index, "W": W, "b": b, "alpha": alpha}

def reference(x, edge_index, W, b, alpha):
    n = x.shape[0]
    # --- GCNConv: add self-loops ---
    loops = jnp.arange(n, dtype=edge_index.dtype)
    ei = jnp.concatenate([edge_index, jnp.stack([loops, loops], axis=0)], axis=1)
    row, col = ei[0], ei[1]
    edge_weight = jnp.ones((ei.shape[1],), dtype=x.dtype)
    # --- symmetric normalization: deg^{-1/2} A_hat deg^{-1/2} (PyG gcn_norm) ---
    deg = jax.ops.segment_sum(edge_weight, col, num_segments=n)
    deg_inv_sqrt = jnp.where(deg > 0, jax.lax.rsqrt(jnp.maximum(deg, 1e-12)), 0.0)
    norm = deg_inv_sqrt[row] * edge_weight * deg_inv_sqrt[col]
    # --- linear transform, gather messages from source, scatter-add to target ---
    xw = x @ W
    msgs = jnp.take(xw, row, axis=0) * norm[:, None]
    out = jax.ops.segment_sum(msgs, col, num_segments=n)
    out = out + b
    # --- PReLU (per-channel) ---
    z = jnp.where(out >= 0, out, alpha[None, :] * out)
    return z

if __name__ == "__main__":
    import jax
    _d = setup_inputs()
    print(jax.jit(kernel)(*tuple(_d.values())))

</pallas_src>

<mosaic_0001>
#map = affine_map<(d0, d1) -> (0, 0, 0)>
#map1 = affine_map<(d0, d1) -> (0, 0)>
module attributes {stable_mosaic.version = 14 : i64} {
  func.func @_deg_kernel_body(%arg0: i32, %arg1: i32, %arg2: memref<32x79x128xi32, #tpu.memory_space<hbm>>, %arg3: memref<2x10240xf32, #tpu.memory_space<hbm>>, %arg4: memref<79x128xi32, #tpu.memory_space<vmem>>, %arg5: memref<128xf32, #tpu.memory_space<vmem>>, %arg6: memref<640xf32, #tpu.memory_space<vmem>>, %arg7: memref<10240xf32, #tpu.memory_space<vmem_shared>>) attributes {dimension_semantics = [#tpu.dimension_semantics<core_parallel>, #tpu.dimension_semantics<subcore_parallel>], iteration_bounds = array<i64: 2, 16>, scalar_prefetch = 0 : i64, scratch_operands = 4 : i64, tpu.core_type = #tpu.core_type<sc_vector_subcore>, window_params = [{transform_indices = #map}, {transform_indices = #map1}]} {
    %mul3A = arith.constant 2 : i32
    %mul3A_0 = arith.muli %arg1, %mul3A : i32
    %add3A = arith.addi %mul3A_0, %arg0 : i32
    %broadcast_in_dim3A = arith.constant 1.000000e+00 : f32
    %broadcast_in_dim3A_1 = vector.broadcast %broadcast_in_dim3A : f32 to vector<16xf32>
    %swap3A = arith.constant 0 : index
    %swap3A_2 = tpu.vector_load %arg5[%swap3A] {strides = array<i32>} : memref<128xf32, #tpu.memory_space<vmem>>, vector<16xf32>,
    %swap3A_3 = vector.shape_cast %swap3A_2 : vector<16xf32> to vector<16xf32>
    %swap3A_4 = vector.shape_cast %broadcast_in_dim3A_1 : vector<16xf32> to vector<16xf32>
    tpu.vector_store %arg5[%swap3A], %swap3A_4 {strides = array<i32>} : memref<128xf32, #tpu.memory_space<vmem>>, vector<16xf32>,
    %broadcast_in_dim3A_5 = arith.constant 1.000000e+00 : f32
    %broadcast_in_dim3A_6 = vector.broadcast %broadcast_in_dim3A_5 : f32 to vector<16xf32>
    %swap3A_7 = arith.constant 16 : index
    %swap3A_8 = tpu.vector_load %arg5[%swap3A_7] {strides = array<i32>} : memref<128xf32, #tpu.memory_space<vmem>>, vector<16xf32>,
    %swap3A_9 = vector.shape_cast %swap3A_8 : vector<16xf32> to vector<16xf32>
    %swap3A_10 = vector.shape_cast %broadcast_in_dim3A_6 : vector<16xf32> to vector<16xf32>
    tpu.vector_store %arg5[%swap3A_7], %swap3A_10 {strides = array<i32>} : memref<128xf32, #tpu.memory_space<vmem>>, vector<16xf32>,
    %broadcast_in_dim3A_11 = arith.constant 1.000000e+00 : f32
    %broadcast_in_dim3A_12 = vector.broadcast %broadcast_in_dim3A_11 : f32 to vector<16xf32>
    %swap3A_13 = arith.constant 32 : index
    %swap3A_14 = tpu.vector_load %arg5[%swap3A_13] {strides = array<i32>} : memref<128xf32, #tpu.memory_space<vmem>>, vector<16xf32>,
    %swap3A_15 = vector.shape_cast %swap3A_14 : vector<16xf32> to vector<16xf32>
    %swap3A_16 = vector.shape_cast %broadcast_in_dim3A_12 : vector<16xf32> to vector<16xf32>
    tpu.vector_store %arg5[%swap3A_13], %swap3A_16 {strides = array<i32>} : memref<128xf32, #tpu.memory_space<vmem>>, vector<16xf32>,
    %broadcast_in_dim3A_17 = arith.constant 1.000000e+00 : f32
    %broadcast_in_dim3A_18 = vector.broadcast %broadcast_in_dim3A_17 : f32 to vector<16xf32>
    %swap3A_19 = arith.constant 48 : index
    %swap3A_20 = tpu.vector_load %arg5[%swap3A_19] {strides = array<i32>} : memref<128xf32, #tpu.memory_space<vmem>>, vector<16xf32>,
    %swap3A_21 = vector.shape_cast %swap3A_20 : vector<16xf32> to vector<16xf32>
    %swap3A_22 = vector.shape_cast %broadcast_in_dim3A_18 : vector<16xf32> to vector<16xf32>
    tpu.vector_store %arg5[%swap3A_19], %swap3A_22 {strides = array<i32>} : memref<128xf32, #tpu.memory_space<vmem>>, vector<16xf32>,
    %broadcast_in_dim3A_23 = arith.constant 1.000000e+00 : f32
    %broadcast_in_dim3A_24 = vector.broadcast %broadcast_in_dim3A_23 : f32 to vector<16xf32>
    %swap3A_25 = arith.constant 64 : index
    %swap3A_26 = tpu.vector_load %arg5[%swap3A_25] {strides = array<i32>} : memref<128xf32, #tpu.memory_space<vmem>>, vector<16xf32>,
    %swap3A_27 = vector.shape_cast %swap3A_26 : vector<16xf32> to vector<16xf32>
    %swap3A_28 = vector.shape_cast %broadcast_in_dim3A_24 : vector<16xf32> to vector<16xf32>
    tpu.vector_store %arg5[%swap3A_25], %swap3A_28 {strides = array<i32>} : memref<128xf32, #tpu.memory_space<vmem>>, vector<16xf32>,
    %broadcast_in_dim3A_29 = arith.constant 1.000000e+00 : f32
    %broadcast_in_dim3A_30 = vector.broadcast %broadcast_in_dim3A_29 : f32 to vector<16xf32>
    %swap3A_31 = arith.constant 80 : index
    %swap3A_32 = tpu.vector_load %arg5[%swap3A_31] {strides = array<i32>} : memref<128xf32, #tpu.memory_space<vmem>>, vector<16xf32>,
    %swap3A_33 = vector.shape_cast %swap3A_32 : vector<16xf32> to vector<16xf32>
    %swap3A_34 = vector.shape_cast %broadcast_in_dim3A_30 : vector<16xf32> to vector<16xf32>
    tpu.vector_store %arg5[%swap3A_31], %swap3A_34 {strides = array<i32>} : memref<128xf32, #tpu.memory_space<vmem>>, vector<16xf32>,
    %broadcast_in_dim3A_35 = arith.constant 1.000000e+00 : f32
    %broadcast_in_dim3A_36 = vector.broadcast %broadcast_in_dim3A_35 : f32 to vector<16xf32>
    %swap3A_37 = arith.constant 96 : index
    %swap3A_38 = tpu.vector_load %arg5[%swap3A_37] {strides = array<i32>} : memref<128xf32, #tpu.memory_space<vmem>>, vector<16xf32>,
    %swap3A_39 = vector.shape_cast %swap3A_38 : vector<16xf32> to vector<16xf32>
    %swap3A_40 = vector.shape_cast %broadcast_in_dim3A_36 : vector<16xf32> to vector<16xf32>
    tpu.vector_store %arg5[%swap3A_37], %swap3A_40 {strides = array<i32>} : memref<128xf32, #tpu.memory_space<vmem>>, vector<16xf32>,
    %broadcast_in_dim3A_41 = arith.constant 1.000000e+00 : f32
    %broadcast_in_dim3A_42 = vector.broadcast %broadcast_in_dim3A_41 : f32 to vector<16xf32>
    %swap3A_43 = arith.constant 112 : index
    %swap3A_44 = tpu.vector_load %arg5[%swap3A_43] {strides = array<i32>} : memref<128xf32, #tpu.memory_space<vmem>>, vector<16xf32>,
    %swap3A_45 = vector.shape_cast %swap3A_44 : vector<16xf32> to vector<16xf32>
    %swap3A_46 = vector.shape_cast %broadcast_in_dim3A_42 : vector<16xf32> to vector<16xf32>
    tpu.vector_store %arg5[%swap3A_43], %swap3A_46 {strides = array<i32>} : memref<128xf32, #tpu.memory_space<vmem>>, vector<16xf32>,
    %broadcast_in_dim3A_47 = arith.constant 0.000000e+00 : f32
    %broadcast_in_dim3A_48 = vector.broadcast %broadcast_in_dim3A_47 : f32 to vector<16xf32>
    %swap3A_49 = arith.constant 0 : index
    %swap3A_50 = tpu.vector_load %arg6[%swap3A_49] {strides = array<i32>} : memref<640xf32, #tpu.memory_space<vmem>>, vector<16xf32>,
    %swap3A_51 = vector.shape_cast %swap3A_50 : vector<16xf32> to vector<16xf32>
    %swap3A_52 = vector.shape_cast %broadcast_in_dim3A_48 : vector<16xf32> to vector<16xf32>
    tpu.vector_store %arg6[%swap3A_49], %swap3A_52 {strides = array<i32>} : memref<640xf32, #tpu.memory_space<vmem>>, vector<16xf32>,
    %broadcast_in_dim3A_53 = arith.constant 0.000000e+00 : f32
    %broadcast_in_dim3A_54 = vector.broadcast %broadcast_in_dim3A_53 : f32 to vector<16xf32>
    %swap3A_55 = arith.constant 16 : index
    %swap3A_56 = tpu.vector_load %arg6[%swap3A_55] {strides = array<i32>} : memref<640xf32, #tpu.memory_space<vmem>>, vector<16xf32>,
    %swap3A_57 = vector.shape_cast %swap3A_56 : vector<16xf32> to vector<16xf32>
    %swap3A_58 = vector.shape_cast %broadcast_in_dim3A_54 : vector<16xf32> to vector<16xf32>
    tpu.vector_store %arg6[%swap3A_55], %swap3A_58 {strides = array<i32>} : memref<640xf32, #tpu.memory_space<vmem>>, vector<16xf32>,
    %broadcast_in_dim3A_59 = arith.constant 0.000000e+00 : f32
    %broadcast_in_dim3A_60 = vector.broadcast %broadcast_in_dim3A_59 : f32 to vector<16xf32>
    %swap3A_61 = arith.constant 32 : index
    %swap3A_62 = tpu.vector_load %arg6[%swap3A_61] {strides = array<i32>} : memref<640xf32, #tpu.memory_space<vmem>>, vector<16xf32>,
    %swap3A_63 = vector.shape_cast %swap3A_62 : vector<16xf32> to vector<16xf32>
    %swap3A_64 = vector.shape_cast %broadcast_in_dim3A_60 : vector<16xf32> to vector<16xf32>
    tpu.vector_store %arg6[%swap3A_61], %swap3A_64 {strides = array<i32>} : memref<640xf32, #tpu.memory_space<vmem>>, vector<16xf32>,
    %broadcast_in_dim3A_65 = arith.constant 0.000000e+00 : f32
    %broadcast_in_dim3A_66 = vector.broadcast %broadcast_in_dim3A_65 : f32 to vector<16xf32>
    %swap3A_67 = arith.constant 48 : index
    %swap3A_68 = tpu.vector_load %arg6[%swap3A_67] {strides = array<i32>} : memref<640xf32, #tpu.memory_space<vmem>>, vector<16xf32>,
    %swap3A_69 = vector.shape_cast %swap3A_68 : vector<16xf32> to vector<16xf32>
    %swap3A_70 = vector.shape_cast %broadcast_in_dim3A_66 : vector<16xf32> to vector<16xf32>
    tpu.vector_store %arg6[%swap3A_67], %swap3A_70 {strides = array<i32>} : memref<640xf32, #tpu.memory_space<vmem>>, vector<16xf32>,
    %broadcast_in_dim3A_71 = arith.constant 0.000000e+00 : f32
    %broadcast_in_dim3A_72 = vector.broadcast %broadcast_in_dim3A_71 : f32 to vector<16xf32>
    %swap3A_73 = arith.constant 64 : index
    %swap3A_74 = tpu.vector_load %arg6[%swap3A_73] {strides = array<i32>} : memref<640xf32, #tpu.memory_space<vmem>>, vector<16xf32>,
    %swap3A_75 = vector.shape_cast %swap3A_74 : vector<16xf32> to vector<16xf32>
    %swap3A_76 = vector.shape_cast %broadcast_in_dim3A_72 : vector<16xf32> to vector<16xf32>
    tpu.vector_store %arg6[%swap3A_73], %swap3A_76 {strides = array<i32>} : memref<640xf32, #tpu.memory_space<vmem>>, vector<16xf32>,
    %broadcast_in_dim3A_77 = arith.constant 0.000000e+00 : f32
    %broadcast_in_dim3A_78 = vector.broadcast %broadcast_in_dim3A_77 : f32 to vector<16xf32>
    %swap3A_79 = arith.constant 80 : index
    %swap3A_80 = tpu.vector_load %arg6[%swap3A_79] {strides = array<i32>} : memref<640xf32, #tpu.memory_space<vmem>>, vector<16xf32>,
    %swap3A_81 = vector.shape_cast %swap3A_80 : vector<16xf32> to vector<16xf32>
    %swap3A_82 = vector.shape_cast %broadcast_in_dim3A_78 : vector<16xf32> to vector<16xf32>
    tpu.vector_store %arg6[%swap3A_79], %swap3A_82 {strides = array<i32>} : memref<640xf32, #tpu.memory_space<vmem>>, vector<16xf32>,
    %broadcast_in_dim3A_83 = arith.constant 0.000000e+00 : f32
    %broadcast_in_dim3A_84 = vector.broadcast %broadcast_in_dim3A_83 : f32 to vector<16xf32>
    %swap3A_85 = arith.constant 96 : index
    %swap3A_86 = tpu.vector_load %arg6[%swap3A_85] {strides = array<i32>} : memref<640xf32, #tpu.memory_space<vmem>>, vector<16xf32>,
    %swap3A_87 = vector.shape_cast %swap3A_86 : vector<16xf32> to vector<16xf32>
    %swap3A_88 = vector.shape_cast %broadcast_in_dim3A_84 : vector<16xf32> to vector<16xf32>
    tpu.vector_store %arg6[%swap3A_85], %swap3A_88 {strides = array<i32>} : memref<640xf32, #tpu.memory_space<vmem>>, vector<16xf32>,
    %broadcast_in_dim3A_89 = arith.constant 0.000000e+00 : f32
    %broadcast_in_dim3A_90 = vector.broadcast %broadcast_in_dim3A_89 : f32 to vector<16xf32>
    %swap3A_91 = arith.constant 112 : index
    %swap3A_92 = tpu.vector_load %arg6[%swap3A_91] {strides = array<i32>} : memref<640xf32, #tpu.memory_space<vmem>>, vector<16xf32>,
    %swap3A_93 = vector.shape_cast %swap3A_92 : vector<16xf32> to vector<16xf32>
    %swap3A_94 = vector.shape_cast %broadcast_in_dim3A_90 : vector<16xf32> to vector<16xf32>
    tpu.vector_store %arg6[%swap3A_91], %swap3A_94 {strides = array<i32>} : memref<640xf32, #tpu.memory_space<vmem>>, vector<16xf32>,
    %broadcast_in_dim3A_95 = arith.constant 0.000000e+00 : f32
    %broadcast_in_dim3A_96 = vector.broadcast %broadcast_in_dim3A_95 : f32 to vector<16xf32>
    %swap3A_97 = arith.constant 128 : index
    %swap3A_98 = tpu.vector_load %arg6[%swap3A_97] {strides = array<i32>} : memref<640xf32, #tpu.memory_space<vmem>>, vector<16xf32>,
    %swap3A_99 = vector.shape_cast %swap3A_98 : vector<16xf32> to vector<16xf32>
    %swap3A_100 = vector.shape_cast %broadcast_in_dim3A_96 : vector<16xf32> to vector<16xf32>
    tpu.vector_store %arg6[%swap3A_97], %swap3A_100 {strides = array<i32>} : memref<640xf32, #tpu.memory_space<vmem>>, vector<16xf32>,
    %broadcast_in_dim3A_101 = arith.constant 0.000000e+00 : f32
    %broadcast_in_dim3A_102 = vector.broadcast %broadcast_in_dim3A_101 : f32 to vector<16xf32>
    %swap3A_103 = arith.constant 144 : index
    %swap3A_104 = tpu.vector_load %arg6[%swap3A_103] {strides = array<i32>} : memref<640xf32, #tpu.memory_space<vmem>>, vector<16xf32>,
    %swap3A_105 = vector.shape_cast %swap3A_104 : vector<16xf32> to vector<16xf32>
    %swap3A_106 = vector.shape_cast %broadcast_in_dim3A_102 : vector<16xf32> to vector<16xf32>
    tpu.vector_store %arg6[%swap3A_103], %swap3A_106 {strides = array<i32>} : memref<640xf32, #tpu.memory_space<vmem>>, vector<16xf32>,
    %broadcast_in_dim3A_107 = arith.constant 0.000000e+00 : f32
    %broadcast_in_dim3A_108 = vector.broadcast %broadcast_in_dim3A_107 : f32 to vector<16xf32>
    %swap3A_109 = arith.constant 160 : index
    %swap3A_110 = tpu.vector_load %arg6[%swap3A_109] {strides = array<i32>} : memref<640xf32, #tpu.memory_space<vmem>>, vector<16xf32>,
    %swap3A_111 = vector.shape_cast %swap3A_110 : vector<16xf32> to vector<16xf32>
    %swap3A_112 = vector.shape_cast %broadcast_in_dim3A_108 : vector<16xf32> to vector<16xf32>
    tpu.vector_store %arg6[%swap3A_109], %swap3A_112 {strides = array<i32>} : memref<640xf32, #tpu.memory_space<vmem>>, vector<16xf32>,
    %broadcast_in_dim3A_113 = arith.constant 0.000000e+00 : f32
    %broadcast_in_dim3A_114 = vector.broadcast %broadcast_in_dim3A_113 : f32 to vector<16xf32>
    %swap3A_115 = arith.constant 176 : index
    %swap3A_116 = tpu.vector_load %arg6[%swap3A_115] {strides = array<i32>} : memref<640xf32, #tpu.memory_space<vmem>>, vector<16xf32>,
    %swap3A_117 = vector.shape_cast %swap3A_116 : vector<16xf32> to vector<16xf32>
    %swap3A_118 = vector.shape_cast %broadcast_in_dim3A_114 : vector<16xf32> to vector<16xf32>
    tpu.vector_store %arg6[%swap3A_115], %swap3A_118 {strides = array<i32>} : memref<640xf32, #tpu.memory_space<vmem>>, vector<16xf32>,
    %broadcast_in_dim3A_119 = arith.constant 0.000000e+00 : f32
    %broadcast_in_dim3A_120 = vector.broadcast %broadcast_in_dim3A_119 : f32 to vector<16xf32>
    %swap3A_121 = arith.constant 192 : index
    %swap3A_122 = tpu.vector_load %arg6[%swap3A_121] {strides = array<i32>} : memref<640xf32, #tpu.memory_space<vmem>>, vector<16xf32>,
    %swap3A_123 = vector.shape_cast %swap3A_122 : vector<16xf32> to vector<16xf32>
    %swap3A_124 = vector.shape_cast %broadcast_in_dim3A_120 : vector<16xf32> to vector<16xf32>
    tpu.vector_store %arg6[%swap3A_121], %swap3A_124 {strides = array<i32>} : memref<640xf32, #tpu.memory_space<vmem>>, vector<16xf32>,
    %broadcast_in_dim3A_125 = arith.constant 0.000000e+00 : f32
    %broadcast_in_dim3A_126 = vector.broadcast %broadcast_in_dim3A_125 : f32 to vector<16xf32>
    %swap3A_127 = arith.constant 208 : index
    %swap3A_128 = tpu.vector_load %arg6[%swap3A_127] {strides = array<i32>} : memref<640xf32, #tpu.memory_space<vmem>>, vector<16xf32>,
    %swap3A_129 = vector.shape_cast %swap3A_128 : vector<16xf32> to vector<16xf32>
    %swap3A_130 = vector.shape_cast %broadcast_in_dim3A_126 : vector<16xf32> to vector<16xf32>
    tpu.vector_store %arg6[%swap3A_127], %swap3A_130 {strides = array<i32>} : memref<640xf32, #tpu.memory_space<vmem>>, vector<16xf32>,
    %broadcast_in_dim3A_131 = arith.constant 0.000000e+00 : f32
    %broadcast_in_dim3A_132 = vector.broadcast %broadcast_in_dim3A_131 : f32 to vector<16xf32>
    %swap3A_133 = arith.constant 224 : index
    %swap3A_134 = tpu.vector_load %arg6[%swap3A_133] {strides = array<i32>} : memref<640xf32, #tpu.memory_space<vmem>>, vector<16xf32>,
    %swap3A_135 = vector.shape_cast %swap3A_134 : vector<16xf32> to vector<16xf32>
    %swap3A_136 = vector.shape_cast %broadcast_in_dim3A_132 : vector<16xf32> to vector<16xf32>
    tpu.vector_store %arg6[%swap3A_133], %swap3A_136 {strides = array<i32>} : memref<640xf32, #tpu.memory_space<vmem>>, vector<16xf32>,
    %broadcast_in_dim3A_137 = arith.constant 0.000000e+00 : f32
    %broadcast_in_dim3A_138 = vector.broadcast %broadcast_in_dim3A_137 : f32 to vector<16xf32>
    %swap3A_139 = arith.constant 240 : index
    %swap3A_140 = tpu.vector_load %arg6[%swap3A_139] {strides = array<i32>} : memref<640xf32, #tpu.memory_space<vmem>>, vector<16xf32>,
    %swap3A_141 = vector.shape_cast %swap3A_140 : vector<16xf32> to vector<16xf32>
    %swap3A_142 = vector.shape_cast %broadcast_in_dim3A_138 : vector<16xf32> to vector<16xf32>
    tpu.vector_store %arg6[%swap3A_139], %swap3A_142 {strides = array<i32>} : memref<640xf32, #tpu.memory_space<vmem>>, vector<16xf32>,
    %broadcast_in_dim3A_143 = arith.constant 0.000000e+00 : f32
    %broadcast_in_dim3A_144 = vector.broadcast %broadcast_in_dim3A_143 : f32 to vector<16xf32>
    %swap3A_145 = arith.constant 256 : index
    %swap3A_146 = tpu.vector_load %arg6[%swap3A_145] {strides = array<i32>} : memref<640xf32, #tpu.memory_space<vmem>>, vector<16xf32>,
    %swap3A_147 = vector.shape_cast %swap3A_146 : vector<16xf32> to vector<16xf32>
    %swap3A_148 = vector.shape_cast %broadcast_in_dim3A_144 : vector<16xf32> to vector<16xf32>
    tpu.vector_store %arg6[%swap3A_145], %swap3A_148 {strides = array<i32>} : memref<640xf32, #tpu.memory_space<vmem>>, vector<16xf32>,
    %broadcast_in_dim3A_149 = arith.constant 0.000000e+00 : f32
    %broadcast_in_dim3A_150 = vector.broadcast %broadcast_in_dim3A_149 : f32 to vector<16xf32>
    %swap3A_151 = arith.constant 272 : index
    %swap3A_152 = tpu.vector_load %arg6[%swap3A_151] {strides = array<i32>} : memref<640xf32, #tpu.memory_space<vmem>>, vector<16xf32>,
    %swap3A_153 = vector.shape_cast %swap3A_152 : vector<16xf32> to vector<16xf32>
    %swap3A_154 = vector.shape_cast %broadcast_in_dim3A_150 : vector<16xf32> to vector<16xf32>
    tpu.vector_store %arg6[%swap3A_151], %swap3A_154 {strides = array<i32>} : memref<640xf32, #tpu.memory_space<vmem>>, vector<16xf32>,
    %broadcast_in_dim3A_155 = arith.constant 0.000000e+00 : f32
    %broadcast_in_dim3A_156 = vector.broadcast %broadcast_in_dim3A_155 : f32 to vector<16xf32>
    %swap3A_157 = arith.constant 288 : index
    %swap3A_158 = tpu.vector_load %arg6[%swap3A_157] {strides = array<i32>} : memref<640xf32, #tpu.memory_space<vmem>>, vector<16xf32>,
    %swap3A_159 = vector.shape_cast %swap3A_158 : vector<16xf32> to vector<16xf32>
    %swap3A_160 = vector.shape_cast %broadcast_in_dim3A_156 : vector<16xf32> to vector<16xf32>
    tpu.vector_store %arg6[%swap3A_157], %swap3A_160 {strides = array<i32>} : memref<640xf32, #tpu.memory_space<vmem>>, vector<16xf32>,
    %broadcast_in_dim3A_161 = arith.constant 0.000000e+00 : f32
    %broadcast_in_dim3A_162 = vector.broadcast %broadcast_in_dim3A_161 : f32 to vector<16xf32>
    %swap3A_163 = arith.constant 304 : index
    %swap3A_164 = tpu.vector_load %arg6[%swap3A_163] {strides = array<i32>} : memref<640xf32, #tpu.memory_space<vmem>>, vector<16xf32>,
    %swap3A_165 = vector.shape_cast %swap3A_164 : vector<16xf32> to vector<16xf32>
    %swap3A_166 = vector.shape_cast %broadcast_in_dim3A_162 : vector<16xf32> to vector<16xf32>
    tpu.vector_store %arg6[%swap3A_163], %swap3A_166 {strides = array<i32>} : memref<640xf32, #tpu.memory_space<vmem>>, vector<16xf32>,
    %broadcast_in_dim3A_167 = arith.constant 0.000000e+00 : f32
    %broadcast_in_dim3A_168 = vector.broadcast %broadcast_in_dim3A_167 : f32 to vector<16xf32>
    %swap3A_169 = arith.constant 320 : index
    %swap3A_170 = tpu.vector_load %arg6[%swap3A_169] {strides = array<i32>} : memref<640xf32, #tpu.memory_space<vmem>>, vector<16xf32>,
    %swap3A_171 = vector.shape_cast %swap3A_170 : vector<16xf32> to vector<16xf32>
    %swap3A_172 = vector.shape_cast %broadcast_in_dim3A_168 : vector<16xf32> to vector<16xf32>
    tpu.vector_store %arg6[%swap3A_169], %swap3A_172 {strides = array<i32>} : memref<640xf32, #tpu.memory_space<vmem>>, vector<16xf32>,
    %broadcast_in_dim3A_173 = arith.constant 0.000000e+00 : f32
    %broadcast_in_dim3A_174 = vector.broadcast %broadcast_in_dim3A_173 : f32 to vector<16xf32>
    %swap3A_175 = arith.constant 336 : index
    %swap3A_176 = tpu.vector_load %arg6[%swap3A_175] {strides = array<i32>} : memref<640xf32, #tpu.memory_space<vmem>>, vector<16xf32>,
    %swap3A_177 = vector.shape_cast %swap3A_176 : vector<16xf32> to vector<16xf32>
    %swap3A_178 = vector.shape_cast %broadcast_in_dim3A_174 : vector<16xf32> to vector<16xf32>
    tpu.vector_store %arg6[%swap3A_175], %swap3A_178 {strides = array<i32>} : memref<640xf32, #tpu.memory_space<vmem>>, vector<16xf32>,
    %broadcast_in_dim3A_179 = arith.constant 0.000000e+00 : f32
    %broadcast_in_dim3A_180 = vector.broadcast %broadcast_in_dim3A_179 : f32 to vector<16xf32>
    %swap3A_181 = arith.constant 352 : index
    %swap3A_182 = tpu.vector_load %arg6[%swap3A_181] {strides = array<i32>} : memref<640xf32, #tpu.memory_space<vmem>>, vector<16xf32>,
    %swap3A_183 = vector.shape_cast %swap3A_182 : vector<16xf32> to vector<16xf32>
    %swap3A_184 = vector.shape_cast %broadcast_in_dim3A_180 : vector<16xf32> to vector<16xf32>
    tpu.vector_store %arg6[%swap3A_181], %swap3A_184 {strides = array<i32>} : memref<640xf32, #tpu.memory_space<vmem>>, vector<16xf32>,
    %broadcast_in_dim3A_185 = arith.constant 0.000000e+00 : f32
    %broadcast_in_dim3A_186 = vector.broadcast %broadcast_in_dim3A_185 : f32 to vector<16xf32>
    %swap3A_187 = arith.constant 368 : index
    %swap3A_188 = tpu.vector_load %arg6[%swap3A_187] {strides = array<i32>} : memref<640xf32, #tpu.memory_space<vmem>>, vector<16xf32>,
    %swap3A_189 = vector.shape_cast %swap3A_188 : vector<16xf32> to vector<16xf32>
    %swap3A_190 = vector.shape_cast %broadcast_in_dim3A_186 : vector<16xf32> to vector<16xf32>
    tpu.vector_store %arg6[%swap3A_187], %swap3A_190 {strides = array<i32>} : memref<640xf32, #tpu.memory_space<vmem>>, vector<16xf32>,
    %broadcast_in_dim3A_191 = arith.constant 0.000000e+00 : f32
    %broadcast_in_dim3A_192 = vector.broadcast %broadcast_in_dim3A_191 : f32 to vector<16xf32>
    %swap3A_193 = arith.constant 384 : index
    %swap3A_194 = tpu.vector_load %arg6[%swap3A_193] {strides = array<i32>} : memref<640xf32, #tpu.memory_space<vmem>>, vector<16xf32>,
    %swap3A_195 = vector.shape_cast %swap3A_194 : vector<16xf32> to vector<16xf32>
    %swap3A_196 = vector.shape_cast %broadcast_in_dim3A_192 : vector<16xf32> to vector<16xf32>
    tpu.vector_store %arg6[%swap3A_193], %swap3A_196 {strides = array<i32>} : memref<640xf32, #tpu.memory_space<vmem>>, vector<16xf32>,
    %broadcast_in_dim3A_197 = arith.constant 0.000000e+00 : f32
    %broadcast_in_dim3A_198 = vector.broadcast %broadcast_in_dim3A_197 : f32 to vector<16xf32>
    %swap3A_199 = arith.constant 400 : index
    %swap3A_200 = tpu.vector_load %arg6[%swap3A_199] {strides = array<i32>} : memref<640xf32, #tpu.memory_space<vmem>>, vector<16xf32>,
    %swap3A_201 = vector.shape_cast %swap3A_200 : vector<16xf32> to vector<16xf32>
    %swap3A_202 = vector.shape_cast %broadcast_in_dim3A_198 : vector<16xf32> to vector<16xf32>
    tpu.vector_store %arg6[%swap3A_199], %swap3A_202 {strides = array<i32>} : memref<640xf32, #tpu.memory_space<vmem>>, vector<16xf32>,
    %broadcast_in_dim3A_203 = arith.constant 0.000000e+00 : f32
    %broadcast_in_dim3A_204 = vector.broadcast %broadcast_in_dim3A_203 : f32 to vector<16xf32>
    %swap3A_205 = arith.constant 416 : index
    %swap3A_206 = tpu.vector_load %arg6[%swap3A_205] {strides = array<i32>} : memref<640xf32, #tpu.memory_space<vmem>>, vector<16xf32>,
    %swap3A_207 = vector.shape_cast %swap3A_206 : vector<16xf32> to vector<16xf32>
    %swap3A_208 = vector.shape_cast %broadcast_in_dim3A_204 : vector<16xf32> to vector<16xf32>
    tpu.vector_store %arg6[%swap3A_205], %swap3A_208 {strides = array<i32>} : memref<640xf32, #tpu.memory_space<vmem>>, vector<16xf32>,
    %broadcast_in_dim3A_209 = arith.constant 0.000000e+00 : f32
    %broadcast_in_dim3A_210 = vector.broadcast %broadcast_in_dim3A_209 : f32 to vector<16xf32>
    %swap3A_211 = arith.constant 432 : index
    %swap3A_212 = tpu.vector_load %arg6[%swap3A_211] {strides = array<i32>} : memref<640xf32, #tpu.memory_space<vmem>>, vector<16xf32>,
    %swap3A_213 = vector.shape_cast %swap3A_212 : vector<16xf32> to vector<16xf32>
    %swap3A_214 = vector.shape_cast %broadcast_in_dim3A_210 : vector<16xf32> to vector<16xf32>
    tpu.vector_store %arg6[%swap3A_211], %swap3A_214 {strides = array<i32>} : memref<640xf32, #tpu.memory_space<vmem>>, vector<16xf32>,
    %broadcast_in_dim3A_215 = arith.constant 0.000000e+00 : f32
    %broadcast_in_dim3A_216 = vector.broadcast %broadcast_in_dim3A_215 : f32 to vector<16xf32>
    %swap3A_217 = arith.constant 448 : index
    %swap3A_218 = tpu.vector_load %arg6[%swap3A_217] {strides = array<i32>} : memref<640xf32, #tpu.memory_space<vmem>>, vector<16xf32>,
    %swap3A_219 = vector.shape_cast %swap3A_218 : vector<16xf32> to vector<16xf32>
    %swap3A_220 = vector.shape_cast %broadcast_in_dim3A_216 : vector<16xf32> to vector<16xf32>
    tpu.vector_store %arg6[%swap3A_217], %swap3A_220 {strides = array<i32>} : memref<640xf32, #tpu.memory_space<vmem>>, vector<16xf32>,
    %broadcast_in_dim3A_221 = arith.constant 0.000000e+00 : f32
    %broadcast_in_dim3A_222 = vector.broadcast %broadcast_in_dim3A_221 : f32 to vector<16xf32>
    %swap3A_223 = arith.constant 464 : index
    %swap3A_224 = tpu.vector_load %arg6[%swap3A_223] {strides = array<i32>} : memref<640xf32, #tpu.memory_space<vmem>>, vector<16xf32>,
    %swap3A_225 = vector.shape_cast %swap3A_224 : vector<16xf32> to vector<16xf32>
    %swap3A_226 = vector.shape_cast %broadcast_in_dim3A_222 : vector<16xf32> to vector<16xf32>
    tpu.vector_store %arg6[%swap3A_223], %swap3A_226 {strides = array<i32>} : memref<640xf32, #tpu.memory_space<vmem>>, vector<16xf32>,
    %broadcast_in_dim3A_227 = arith.constant 0.000000e+00 : f32
    %broadcast_in_dim3A_228 = vector.broadcast %broadcast_in_dim3A_227 : f32 to vector<16xf32>
    %swap3A_229 = arith.constant 480 : index
    %swap3A_230 = tpu.vector_load %arg6[%swap3A_229] {strides = array<i32>} : memref<640xf32, #tpu.memory_space<vmem>>, vector<16xf32>,
    %swap3A_231 = vector.shape_cast %swap3A_230 : vector<16xf32> to vector<16xf32>
    %swap3A_232 = vector.shape_cast %broadcast_in_dim3A_228 : vector<16xf32> to vector<16xf32>
    tpu.vector_store %arg6[%swap3A_229], %swap3A_232 {strides = array<i32>} : memref<640xf32, #tpu.memory_space<vmem>>, vector<16xf32>,
    %broadcast_in_dim3A_233 = arith.constant 0.000000e+00 : f32
    %broadcast_in_dim3A_234 = vector.broadcast %broadcast_in_dim3A_233 : f32 to vector<16xf32>
    %swap3A_235 = arith.constant 496 : index
    %swap3A_236 = tpu.vector_load %arg6[%swap3A_235] {strides = array<i32>} : memref<640xf32, #tpu.memory_space<vmem>>, vector<16xf32>,
    %swap3A_237 = vector.shape_cast %swap3A_236 : vector<16xf32> to vector<16xf32>
    %swap3A_238 = vector.shape_cast %broadcast_in_dim3A_234 : vector<16xf32> to vector<16xf32>
    tpu.vector_store %arg6[%swap3A_235], %swap3A_238 {strides = array<i32>} : memref<640xf32, #tpu.memory_space<vmem>>, vector<16xf32>,
    %broadcast_in_dim3A_239 = arith.constant 0.000000e+00 : f32
    %broadcast_in_dim3A_240 = vector.broadcast %broadcast_in_dim3A_239 : f32 to vector<16xf32>
    %swap3A_241 = arith.constant 512 : index
    %swap3A_242 = tpu.vector_load %arg6[%swap3A_241] {strides = array<i32>} : memref<640xf32, #tpu.memory_space<vmem>>, vector<16xf32>,
    %swap3A_243 = vector.shape_cast %swap3A_242 : vector<16xf32> to vector<16xf32>
    %swap3A_244 = vector.shape_cast %broadcast_in_dim3A_240 : vector<16xf32> to vector<16xf32>
    tpu.vector_store %arg6[%swap3A_241], %swap3A_244 {strides = array<i32>} : memref<640xf32, #tpu.memory_space<vmem>>, vector<16xf32>,
    %broadcast_in_dim3A_245 = arith.constant 0.000000e+00 : f32
    %broadcast_in_dim3A_246 = vector.broadcast %broadcast_in_dim3A_245 : f32 to vector<16xf32>
    %swap3A_247 = arith.constant 528 : index
    %swap3A_248 = tpu.vector_load %arg6[%swap3A_247] {strides = array<i32>} : memref<640xf32, #tpu.memory_space<vmem>>, vector<16xf32>,
    %swap3A_249 = vector.shape_cast %swap3A_248 : vector<16xf32> to vector<16xf32>
    %swap3A_250 = vector.shape_cast %broadcast_in_dim3A_246 : vector<16xf32> to vector<16xf32>
    tpu.vector_store %arg6[%swap3A_247], %swap3A_250 {strides = array<i32>} : memref<640xf32, #tpu.memory_space<vmem>>, vector<16xf32>,
    %broadcast_in_dim3A_251 = arith.constant 0.000000e+00 : f32
    %broadcast_in_dim3A_252 = vector.broadcast %broadcast_in_dim3A_251 : f32 to vector<16xf32>
    %swap3A_253 = arith.constant 544 : index
    %swap3A_254 = tpu.vector_load %arg6[%swap3A_253] {strides = array<i32>} : memref<640xf32, #tpu.memory_space<vmem>>, vector<16xf32>,
    %swap3A_255 = vector.shape_cast %swap3A_254 : vector<16xf32> to vector<16xf32>
    %swap3A_256 = vector.shape_cast %broadcast_in_dim3A_252 : vector<16xf32> to vector<16xf32>
    tpu.vector_store %arg6[%swap3A_253], %swap3A_256 {strides = array<i32>} : memref<640xf32, #tpu.memory_space<vmem>>, vector<16xf32>,
    %broadcast_in_dim3A_257 = arith.constant 0.000000e+00 : f32
    %broadcast_in_dim3A_258 = vector.broadcast %broadcast_in_dim3A_257 : f32 to vector<16xf32>
    %swap3A_259 = arith.constant 560 : index
    %swap3A_260 = tpu.vector_load %arg6[%swap3A_259] {strides = array<i32>} : memref<640xf32, #tpu.memory_space<vmem>>, vector<16xf32>,
    %swap3A_261 = vector.shape_cast %swap3A_260 : vector<16xf32> to vector<16xf32>
    %swap3A_262 = vector.shape_cast %broadcast_in_dim3A_258 : vector<16xf32> to vector<16xf32>
    tpu.vector_store %arg6[%swap3A_259], %swap3A_262 {strides = array<i32>} : memref<640xf32, #tpu.memory_space<vmem>>, vector<16xf32>,
    %broadcast_in_dim3A_263 = arith.constant 0.000000e+00 : f32
    %broadcast_in_dim3A_264 = vector.broadcast %broadcast_in_dim3A_263 : f32 to vector<16xf32>
    %swap3A_265 = arith.constant 576 : index
    %swap3A_266 = tpu.vector_load %arg6[%swap3A_265] {strides = array<i32>} : memref<640xf32, #tpu.memory_space<vmem>>, vector<16xf32>,
    %swap3A_267 = vector.shape_cast %swap3A_266 : vector<16xf32> to vector<16xf32>
    %swap3A_268 = vector.shape_cast %broadcast_in_dim3A_264 : vector<16xf32> to vector<16xf32>
    tpu.vector_store %arg6[%swap3A_265], %swap3A_268 {strides = array<i32>} : memref<640xf32, #tpu.memory_space<vmem>>, vector<16xf32>,
    %broadcast_in_dim3A_269 = arith.constant 0.000000e+00 : f32
    %broadcast_in_dim3A_270 = vector.broadcast %broadcast_in_dim3A_269 : f32 to vector<16xf32>
    %swap3A_271 = arith.constant 592 : index
    %swap3A_272 = tpu.vector_load %arg6[%swap3A_271] {strides = array<i32>} : memref<640xf32, #tpu.memory_space<vmem>>, vector<16xf32>,
    %swap3A_273 = vector.shape_cast %swap3A_272 : vector<16xf32> to vector<16xf32>
    %swap3A_274 = vector.shape_cast %broadcast_in_dim3A_270 : vector<16xf32> to vector<16xf32>
    tpu.vector_store %arg6[%swap3A_271], %swap3A_274 {strides = array<i32>} : memref<640xf32, #tpu.memory_space<vmem>>, vector<16xf32>,
    %broadcast_in_dim3A_275 = arith.constant 0.000000e+00 : f32
    %broadcast_in_dim3A_276 = vector.broadcast %broadcast_in_dim3A_275 : f32 to vector<16xf32>
    %swap3A_277 = arith.constant 608 : index
    %swap3A_278 = tpu.vector_load %arg6[%swap3A_277] {strides = array<i32>} : memref<640xf32, #tpu.memory_space<vmem>>, vector<16xf32>,
    %swap3A_279 = vector.shape_cast %swap3A_278 : vector<16xf32> to vector<16xf32>
    %swap3A_280 = vector.shape_cast %broadcast_in_dim3A_276 : vector<16xf32> to vector<16xf32>
    tpu.vector_store %arg6[%swap3A_277], %swap3A_280 {strides = array<i32>} : memref<640xf32, #tpu.memory_space<vmem>>, vector<16xf32>,
    %broadcast_in_dim3A_281 = arith.constant 0.000000e+00 : f32
    %broadcast_in_dim3A_282 = vector.broadcast %broadcast_in_dim3A_281 : f32 to vector<16xf32>
    %swap3A_283 = arith.constant 624 : index
    %swap3A_284 = tpu.vector_load %arg6[%swap3A_283] {strides = array<i32>} : memref<640xf32, #tpu.memory_space<vmem>>, vector<16xf32>,
    %swap3A_285 = vector.shape_cast %swap3A_284 : vector<16xf32> to vector<16xf32>
    %swap3A_286 = vector.shape_cast %broadcast_in_dim3A_282 : vector<16xf32> to vector<16xf32>
    tpu.vector_store %arg6[%swap3A_283], %swap3A_286 {strides = array<i32>} : memref<640xf32, #tpu.memory_space<vmem>>, vector<16xf32>,
    %mul3A_287 = arith.constant 640 : i32
    %mul3A_288 = arith.muli %arg1, %mul3A_287 : i32
    "tpu.region"() ({
      %run_scoped3A = tpu.sem_alloc : memref<!tpu.dma_semaphore, #tpu.memory_space<semaphore_mem>>
      %dma_start3A = tpu.memref_slice %arg7[%mul3A_288] : memref<10240xf32, #tpu.memory_space<vmem_shared>> -> memref<640xf32, #tpu.memory_space<vmem_shared>>
      %dma_start3A_299 = tpu.memref_slice %arg7[%mul3A_288] : memref<10240xf32, #tpu.memory_space<vmem_shared>> -> memref<640xf32, #tpu.memory_space<vmem_shared>>
      tpu.enqueue_dma source(%arg6 : memref<640xf32, #tpu.memory_space<vmem>>) target(%dma_start3A_299 : memref<640xf32, #tpu.memory_space<vmem_shared>>) target_semaphore(%run_scoped3A : memref<!tpu.dma_semaphore, #tpu.memory_space<semaphore_mem>>)
      %dma_wait3A = tpu.memref_slice %arg7[%mul3A_288] : memref<10240xf32, #tpu.memory_space<vmem_shared>> -> memref<640xf32, #tpu.memory_space<vmem_shared>>
      %dma_wait3A_300 = tpu.memref_slice %arg7[%mul3A_288] : memref<10240xf32, #tpu.memory_space<vmem_shared>> -> memref<640xf32, #tpu.memory_space<vmem_shared>>
      tpu.wait_dma2 semaphore(%run_scoped3A : memref<!tpu.dma_semaphore, #tpu.memory_space<semaphore_mem>>) src(%arg6 : memref<640xf32, #tpu.memory_space<vmem>>) dst(%dma_wait3A_300 : memref<640xf32, #tpu.memory_space<vmem_shared>>)
      tpu.yield
    }) : () -> ()
    "tpu.region"() ({
      %run_scoped3A = tpu.sem_alloc : memref<!tpu.dma_semaphore, #tpu.memory_space<semaphore_mem>>
      %dma_start3A = arith.constant 0 : i32
      %dma_start3A_299 = arith.constant 0 : i32
      %dma_start3A_300 = tpu.memref_slice %arg2[%add3A, %dma_start3A, %dma_start3A_299] : memref<32x79x128xi32, #tpu.memory_space<hbm>> -> memref<1x79x128xi32, #tpu.memory_space<hbm>>
      %dma_start3A_301 = tpu.memref_squeeze %dma_start3A_300 : memref<1x79x128xi32, #tpu.memory_space<hbm>> -> memref<79x128xi32, #tpu.memory_space<hbm>>
      %dma_start3A_302 = arith.constant 0 : i32
      %dma_start3A_303 = arith.constant 0 : i32
      %dma_start3A_304 = tpu.memref_slice %arg2[%add3A, %dma_start3A_302, %dma_start3A_303] : memref<32x79x128xi32, #tpu.memory_space<hbm>> -> memref<1x79x128xi32, #tpu.memory_space<hbm>>
      %dma_start3A_305 = tpu.memref_squeeze %dma_start3A_304 : memref<1x79x128xi32, #tpu.memory_space<hbm>> -> memref<79x128xi32, #tpu.memory_space<hbm>>
      tpu.enqueue_dma source(%dma_start3A_305 : memref<79x128xi32, #tpu.memory_space<hbm>>) target(%arg4 : memref<79x128xi32, #tpu.memory_space<vmem>>) target_semaphore(%run_scoped3A : memref<!tpu.dma_semaphore, #tpu.memory_space<semaphore_mem>>)
      %dma_wait3A = arith.constant 0 : i32
      %dma_wait3A_306 = arith.constant 0 : i32
      %dma_wait3A_307 = tpu.memref_slice %arg2[%add3A, %dma_wait3A, %dma_wait3A_306] : memref<32x79x128xi32, #tpu.memory_space<hbm>> -> memref<1x79x128xi32, #tpu.memory_space<hbm>>
      %dma_wait3A_308 = tpu.memref_squeeze %dma_wait3A_307 : memref<1x79x128xi32, #tpu.memory_space<hbm>> -> memref<79x128xi32, #tpu.memory_space<hbm>>
      %dma_wait3A_309 = arith.constant 0 : i32
      %dma_wait3A_310 = arith.constant 0 : i32
      %dma_wait3A_311 = tpu.memref_slice %arg2[%add3A, %dma_wait3A_309, %dma_wait3A_310] : memref<32x79x128xi32, #tpu.memory_space<hbm>> -> memref<1x79x128xi32, #tpu.memory_space<hbm>>
      %dma_wait3A_312 = tpu.memref_squeeze %dma_wait3A_311 : memref<1x79x128xi32, #tpu.memory_space<hbm>> -> memref<79x128xi32, #tpu.memory_space<hbm>>
      tpu.wait_dma2 semaphore(%run_scoped3A : memref<!tpu.dma_semaphore, #tpu.memory_space<semaphore_mem>>) src(%dma_wait3A_312 : memref<79x128xi32, #tpu.memory_space<hbm>>) dst(%arg4 : memref<79x128xi32, #tpu.memory_space<vmem>>)
      tpu.yield
    }) : () -> ()
    %barrier3A = arith.constant 0 : index
    tpu.barrier barrier_id(%barrier3A)
    %scan3A = arith.constant 0 : i32
    %scan3A_289 = arith.constant 0 : i32
    %scan3A_290 = arith.constant 79 : i32
    %scan3A_291 = arith.addi %scan3A_289, %scan3A_290 : i32
    %scan3A_292 = arith.constant 1 : i32
    scf.for %scan3A_299 = %scan3A_289 to %scan3A_291 step %scan3A_292  : i32 {
      "tpu.region"() ({
        %run_scoped3A = tpu.sem_alloc : memref<!tpu.dma_semaphore, #tpu.memory_space<semaphore_mem>>
        %dma_start3A = arith.constant 0 : i32
        %dma_start3A_300 = tpu.memref_slice %arg4[%scan3A_299, %dma_start3A] : memref<79x128xi32, #tpu.memory_space<vmem>> -> memref<1x128xi32, #tpu.memory_space<vmem>>
        %dma_start3A_301 = tpu.memref_squeeze %dma_start3A_300 : memref<1x128xi32, #tpu.memory_space<vmem>> -> memref<128xi32, #tpu.memory_space<vmem>>
        %dma_start3A_302 = arith.constant 0 : i32
        %dma_start3A_303 = tpu.memref_slice %arg7[%dma_start3A_302] : memref<10240xf32, #tpu.memory_space<vmem_shared>> -> memref<10240xf32, #tpu.memory_space<vmem_shared>>
        tpu.enqueue_indirect_dma source(%arg5 : memref<128xf32, #tpu.memory_space<vmem>>) target(%dma_start3A_303 : memref<10240xf32, #tpu.memory_space<vmem_shared>>) offsets(%dma_start3A_301 : memref<128xi32, #tpu.memory_space<vmem>>) semaphore(%run_scoped3A : memref<!tpu.dma_semaphore, #tpu.memory_space<semaphore_mem>>) {add = true}
        %dma_wait3A = arith.constant 0 : i32
        %dma_wait3A_304 = tpu.memref_slice %arg4[%scan3A_299, %dma_wait3A] : memref<79x128xi32, #tpu.memory_space<vmem>> -> memref<1x128xi32, #tpu.memory_space<vmem>>
        %dma_wait3A_305 = tpu.memref_squeeze %dma_wait3A_304 : memref<1x128xi32, #tpu.memory_space<vmem>> -> memref<128xi32, #tpu.memory_space<vmem>>
        %dma_wait3A_306 = arith.constant 0 : i32
        %dma_wait3A_307 = tpu.memref_slice %arg7[%dma_wait3A_306] : memref<10240xf32, #tpu.memory_space<vmem_shared>> -> memref<10240xf32, #tpu.memory_space<vmem_shared>>
        tpu.wait_indirect_dma semaphore(%run_scoped3A : memref<!tpu.dma_semaphore, #tpu.memory_space<semaphore_mem>>) src(%arg5 : memref<128xf32, #tpu.memory_space<vmem>>) dst(%dma_wait3A_307 : memref<10240xf32, #tpu.memory_space<vmem_shared>>)
        tpu.yield
      }) : () -> ()
    }
    %scan3A_293 = arith.constant 79 : i32
    %barrier3A_294 = arith.constant 0 : index
    tpu.barrier barrier_id(%barrier3A_294)
    %mul3A_295 = arith.constant 640 : i32
    %mul3A_296 = arith.muli %arg1, %mul3A_295 : i32
    %mul3A_297 = arith.constant 640 : i32
    %mul3A_298 = arith.muli %arg1, %mul3A_297 : i32
    "tpu.region"() ({
      %run_scoped3A = tpu.sem_alloc : memref<!tpu.dma_semaphore, #tpu.memory_space<semaphore_mem>>
      %dma_start3A = tpu.memref_slice %arg3[%arg0, %mul3A_298] : memref<2x10240xf32, #tpu.memory_space<hbm>> -> memref<1x640xf32, #tpu.memory_space<hbm>>
      %dma_start3A_299 = tpu.memref_squeeze %dma_start3A : memref<1x640xf32, #tpu.memory_space<hbm>> -> memref<640xf32, #tpu.memory_space<hbm>>
      %dma_start3A_300 = tpu.memref_slice %arg7[%mul3A_296] : memref<10240xf32, #tpu.memory_space<vmem_shared>> -> memref<640xf32, #tpu.memory_space<vmem_shared>>
      tpu.enqueue_dma source(%dma_start3A_300 : memref<640xf32, #tpu.memory_space<vmem_shared>>) target(%dma_start3A_299 : memref<640xf32, #tpu.memory_space<hbm>>) target_semaphore(%run_scoped3A : memref<!tpu.dma_semaphore, #tpu.memory_space<semaphore_mem>>)
      %dma_wait3A = tpu.memref_slice %arg3[%arg0, %mul3A_298] : memref<2x10240xf32, #tpu.memory_space<hbm>> -> memref<1x640xf32, #tpu.memory_space<hbm>>
      %dma_wait3A_301 = tpu.memref_squeeze %dma_wait3A : memref<1x640xf32, #tpu.memory_space<hbm>> -> memref<640xf32, #tpu.memory_space<hbm>>
      %dma_wait3A_302 = tpu.memref_slice %arg7[%mul3A_296] : memref<10240xf32, #tpu.memory_space<vmem_shared>> -> memref<640xf32, #tpu.memory_space<vmem_shared>>
      tpu.wait_dma2 semaphore(%run_scoped3A : memref<!tpu.dma_semaphore, #tpu.memory_space<semaphore_mem>>) src(%dma_wait3A_302 : memref<640xf32, #tpu.memory_space<vmem_shared>>) dst(%dma_wait3A_301 : memref<640xf32, #tpu.memory_space<hbm>>)
      tpu.yield
    }) : () -> ()
    return
  }
}

#map = affine_map<(d0, d1) -> (0, 0)>
#map1 = affine_map<(d0, d1) -> (0, 0, 0, 0)>
module attributes {stable_mosaic.version = 14 : i64} {
  func.func @_agg_kernel_body(%arg0: i32, %arg1: i32, %arg2: memref<10240x64xf32, #tpu.memory_space<hbm>>, %arg3: memref<10240x64xf32, #tpu.memory_space<hbm>>, %arg4: memref<16x2x158x128xi32, #tpu.memory_space<hbm>>, %arg5: memref<640x64xf32, #tpu.memory_space<hbm>>, %arg6: memref<10240x64xf32, #tpu.memory_space<hbm>>, %arg7: memref<10240x64xf32, #tpu.memory_space<hbm>>, %arg8: memref<2x158x128xi32, #tpu.memory_space<vmem>>, %arg9: memref<6x128x64xf32, #tpu.memory_space<vmem>>, %arg10: memref<10240x64xf32, #tpu.memory_space<vmem_shared>>, %arg11: memref<6x!tpu.dma_semaphore, #tpu.memory_space<semaphore_mem>>, %arg12: memref<6x!tpu.dma_semaphore, #tpu.memory_space<semaphore_mem>>) attributes {dimension_semantics = [#tpu.dimension_semantics<core_parallel>, #tpu.dimension_semantics<subcore_parallel>], iteration_bounds = array<i64: 2, 16>, scalar_prefetch = 0 : i64, scratch_operands = 5 : i64, tpu.core_type = #tpu.core_type<sc_vector_subcore>, window_params = [{transform_indices = #map}, {transform_indices = #map}, {transform_indices = #map1}, {transform_indices = #map}, {transform_indices = #map}, {transform_indices = #map}]} {
    %mul3A = arith.constant 640 : i32
    %mul3A_0 = arith.muli %arg1, %mul3A : i32
    "tpu.region"() ({
      %run_scoped3A = tpu.sem_alloc : memref<!tpu.dma_semaphore, #tpu.memory_space<semaphore_mem>>
      %dma_start3A = arith.constant 0 : i32
      %dma_start3A_26 = tpu.memref_slice %arg10[%mul3A_0, %dma_start3A] : memref<10240x64xf32, #tpu.memory_space<vmem_shared>> -> memref<640x64xf32, #tpu.memory_space<vmem_shared>>
      tpu.enqueue_dma source(%arg5 : memref<640x64xf32, #tpu.memory_space<hbm>>) target(%dma_start3A_26 : memref<640x64xf32, #tpu.memory_space<vmem_shared>>) target_semaphore(%run_scoped3A : memref<!tpu.dma_semaphore, #tpu.memory_space<semaphore_mem>>)
      %dma_wait3A = arith.constant 0 : i32
      %dma_wait3A_27 = tpu.memref_slice %arg10[%mul3A_0, %dma_wait3A] : memref<10240x64xf32, #tpu.memory_space<vmem_shared>> -> memref<640x64xf32, #tpu.memory_space<vmem_shared>>
      tpu.wait_dma2 semaphore(%run_scoped3A : memref<!tpu.dma_semaphore, #tpu.memory_space<semaphore_mem>>) src(%arg5 : memref<640x64xf32, #tpu.memory_space<hbm>>) dst(%dma_wait3A_27 : memref<640x64xf32, #tpu.memory_space<vmem_shared>>)
      tpu.yield
    }) : () -> ()
    "tpu.region"() ({
      %run_scoped3A = tpu.sem_alloc : memref<!tpu.dma_semaphore, #tpu.memory_space<semaphore_mem>>
      %dma_start3A = arith.constant 0 : i32
      %dma_start3A_26 = arith.constant 0 : i32
      %dma_start3A_27 = arith.constant 0 : i32
      %dma_start3A_28 = tpu.memref_slice %arg4[%arg1, %dma_start3A, %dma_start3A_26, %dma_start3A_27] : memref<16x2x158x128xi32, #tpu.memory_space<hbm>> -> memref<1x2x158x128xi32, #tpu.memory_space<hbm>>
      %dma_start3A_29 = tpu.memref_squeeze %dma_start3A_28 : memref<1x2x158x128xi32, #tpu.memory_space<hbm>> -> memref<2x158x128xi32, #tpu.memory_space<hbm>>
      %dma_start3A_30 = arith.constant 0 : i32
      %dma_start3A_31 = arith.constant 0 : i32
      %dma_start3A_32 = arith.constant 0 : i32
      %dma_start3A_33 = tpu.memref_slice %arg4[%arg1, %dma_start3A_30, %dma_start3A_31, %dma_start3A_32] : memref<16x2x158x128xi32, #tpu.memory_space<hbm>> -> memref<1x2x158x128xi32, #tpu.memory_space<hbm>>
      %dma_start3A_34 = tpu.memref_squeeze %dma_start3A_33 : memref<1x2x158x128xi32, #tpu.memory_space<hbm>> -> memref<2x158x128xi32, #tpu.memory_space<hbm>>
      tpu.enqueue_dma source(%dma_start3A_34 : memref<2x158x128xi32, #tpu.memory_space<hbm>>) target(%arg8 : memref<2x158x128xi32, #tpu.memory_space<vmem>>) target_semaphore(%run_scoped3A : memref<!tpu.dma_semaphore, #tpu.memory_space<semaphore_mem>>)
      %dma_wait3A = arith.constant 0 : i32
      %dma_wait3A_35 = arith.constant 0 : i32
      %dma_wait3A_36 = arith.constant 0 : i32
      %dma_wait3A_37 = tpu.memref_slice %arg4[%arg1, %dma_wait3A, %dma_wait3A_35, %dma_wait3A_36] : memref<16x2x158x128xi32, #tpu.memory_space<hbm>> -> memref<1x2x158x128xi32, #tpu.memory_space<hbm>>
      %dma_wait3A_38 = tpu.memref_squeeze %dma_wait3A_37 : memref<1x2x158x128xi32, #tpu.memory_space<hbm>> -> memref<2x158x128xi32, #tpu.memory_space<hbm>>
      %dma_wait3A_39 = arith.constant 0 : i32
      %dma_wait3A_40 = arith.constant 0 : i32
      %dma_wait3A_41 = arith.constant 0 : i32
      %dma_wait3A_42 = tpu.memref_slice %arg4[%arg1, %dma_wait3A_39, %dma_wait3A_40, %dma_wait3A_41] : memref<16x2x158x128xi32, #tpu.memory_space<hbm>> -> memref<1x2x158x128xi32, #tpu.memory_space<hbm>>
      %dma_wait3A_43 = tpu.memref_squeeze %dma_wait3A_42 : memref<1x2x158x128xi32, #tpu.memory_space<hbm>> -> memref<2x158x128xi32, #tpu.memory_space<hbm>>
      tpu.wait_dma2 semaphore(%run_scoped3A : memref<!tpu.dma_semaphore, #tpu.memory_space<semaphore_mem>>) src(%dma_wait3A_43 : memref<2x158x128xi32, #tpu.memory_space<hbm>>) dst(%arg8 : memref<2x158x128xi32, #tpu.memory_space<vmem>>)
      tpu.yield
    }) : () -> ()
    %barrier3A = arith.constant 0 : index
    tpu.barrier barrier_id(%barrier3A)
    %scan3A = arith.constant 0 : i32
    %scan3A_1 = arith.constant 0 : i32
    %scan3A_2 = arith.constant 3 : i32
    %scan3A_3 = arith.addi %scan3A_1, %scan3A_2 : i32
    %scan3A_4 = arith.constant 1 : i32
    scf.for %scan3A_26 = %scan3A_1 to %scan3A_3 step %scan3A_4  : i32 {
      %eq3A_27 = arith.constant 0 : i32
      %eq3A_28 = arith.cmpi eq, %arg0, %eq3A_27 : i32
      %convert_element_type3A_29 = arith.extui %eq3A_28 : i1 to i32
      %cond3A_30 = arith.constant 0 : i32
      %cond3A_31 = arith.cmpi ne, %convert_element_type3A_29, %cond3A_30 : i32
      scf.if %cond3A_31 {
        %dma_start3A = arith.constant 0 : i32
        %dma_start3A_37 = arith.constant 0 : i32
        %dma_start3A_38 = arith.constant 0 : i32
        %dma_start3A_39 = tpu.memref_slice %arg9[%scan3A_26, %dma_start3A_37, %dma_start3A_38] : memref<6x128x64xf32, #tpu.memory_space<vmem>> -> memref<1x128x64xf32, #tpu.memory_space<vmem>>
        %dma_start3A_40 = tpu.memref_squeeze %dma_start3A_39 : memref<1x128x64xf32, #tpu.memory_space<vmem>> -> memref<128x64xf32, #tpu.memory_space<vmem>>
        %dma_start3A_41 = arith.constant 0 : i32
        %dma_start3A_42 = tpu.memref_slice %arg8[%dma_start3A, %scan3A_26, %dma_start3A_41] : memref<2x158x128xi32, #tpu.memory_space<vmem>> -> memref<1x1x128xi32, #tpu.memory_space<vmem>>
        %dma_start3A_43 = tpu.memref_squeeze %dma_start3A_42 : memref<1x1x128xi32, #tpu.memory_space<vmem>> -> memref<128xi32, #tpu.memory_space<vmem>>
        %dma_start3A_44 = arith.constant 0 : i32
        %dma_start3A_45 = arith.constant 0 : i32
        %dma_start3A_46 = tpu.memref_slice %arg2[%dma_start3A_44, %dma_start3A_45] : memref<10240x64xf32, #tpu.memory_space<hbm>> -> memref<10240x64xf32, #tpu.memory_space<hbm>>
        %dma_start3A_47 = tpu.memref_slice %arg11[%scan3A_26] : memref<6x!tpu.dma_semaphore, #tpu.memory_space<semaphore_mem>> -> memref<1x!tpu.dma_semaphore, #tpu.memory_space<semaphore_mem>>
        %dma_start3A_48 = tpu.memref_squeeze %dma_start3A_47 : memref<1x!tpu.dma_semaphore, #tpu.memory_space<semaphore_mem>> -> memref<!tpu.dma_semaphore, #tpu.memory_space<semaphore_mem>>
        tpu.enqueue_indirect_dma source(%dma_start3A_46 : memref<10240x64xf32, #tpu.memory_space<hbm>>) target(%dma_start3A_40 : memref<128x64xf32, #tpu.memory_space<vmem>>) offsets(%dma_start3A_43 : memref<128xi32, #tpu.memory_space<vmem>>) semaphore(%dma_start3A_48 : memref<!tpu.dma_semaphore, #tpu.memory_space<semaphore_mem>>)
      } else {
      }
      %eq3A_32 = arith.constant 1 : i32
      %eq3A_33 = arith.cmpi eq, %arg0, %eq3A_32 : i32
      %convert_element_type3A_34 = arith.extui %eq3A_33 : i1 to i32
      %cond3A_35 = arith.constant 0 : i32
      %cond3A_36 = arith.cmpi ne, %convert_element_type3A_34, %cond3A_35 : i32
      scf.if %cond3A_36 {
        %dma_start3A = arith.constant 0 : i32
        %dma_start3A_37 = arith.constant 0 : i32
        %dma_start3A_38 = arith.constant 0 : i32
        %dma_start3A_39 = tpu.memref_slice %arg9[%scan3A_26, %dma_start3A_37, %dma_start3A_38] : memref<6x128x64xf32, #tpu.memory_space<vmem>> -> memref<1x128x64xf32, #tpu.memory_space<vmem>>
        %dma_start3A_40 = tpu.memref_squeeze %dma_start3A_39 : memref<1x128x64xf32, #tpu.memory_space<vmem>> -> memref<128x64xf32, #tpu.memory_space<vmem>>
        %dma_start3A_41 = arith.constant 0 : i32
        %dma_start3A_42 = tpu.memref_slice %arg8[%dma_start3A, %scan3A_26, %dma_start3A_41] : memref<2x158x128xi32, #tpu.memory_space<vmem>> -> memref<1x1x128xi32, #tpu.memory_space<vmem>>
        %dma_start3A_43 = tpu.memref_squeeze %dma_start3A_42 : memref<1x1x128xi32, #tpu.memory_space<vmem>> -> memref<128xi32, #tpu.memory_space<vmem>>
        %dma_start3A_44 = arith.constant 0 : i32
        %dma_start3A_45 = arith.constant 0 : i32
        %dma_start3A_46 = tpu.memref_slice %arg3[%dma_start3A_44, %dma_start3A_45] : memref<10240x64xf32, #tpu.memory_space<hbm>> -> memref<10240x64xf32, #tpu.memory_space<hbm>>
        %dma_start3A_47 = tpu.memref_slice %arg11[%scan3A_26] : memref<6x!tpu.dma_semaphore, #tpu.memory_space<semaphore_mem>> -> memref<1x!tpu.dma_semaphore, #tpu.memory_space<semaphore_mem>>
        %dma_start3A_48 = tpu.memref_squeeze %dma_start3A_47 : memref<1x!tpu.dma_semaphore, #tpu.memory_space<semaphore_mem>> -> memref<!tpu.dma_semaphore, #tpu.memory_space<semaphore_mem>>
        tpu.enqueue_indirect_dma source(%dma_start3A_46 : memref<10240x64xf32, #tpu.memory_space<hbm>>) target(%dma_start3A_40 : memref<128x64xf32, #tpu.memory_space<vmem>>) offsets(%dma_start3A_43 : memref<128xi32, #tpu.memory_space<vmem>>) semaphore(%dma_start3A_48 : memref<!tpu.dma_semaphore, #tpu.memory_space<semaphore_mem>>)
      } else {
      }
    }
    %scan3A_5 = arith.constant 3 : i32
    %scan3A_6 = arith.constant 0 : i32
    %scan3A_7 = arith.constant 0 : i32
    %scan3A_8 = arith.constant 158 : i32
    %scan3A_9 = arith.addi %scan3A_7, %scan3A_8 : i32
    %scan3A_10 = arith.constant 1 : i32
    scf.for %scan3A_26 = %scan3A_7 to %scan3A_9 step %scan3A_10  : i32 {
      %rem3A = arith.constant 6 : i32
      %rem3A_27 = arith.remsi %scan3A_26, %rem3A : i32
      %add3A = arith.constant 3 : i32
      %add3A_28 = arith.addi %scan3A_26, %add3A : i32
      %rem3A_29 = arith.constant 6 : i32
      %rem3A_30 = arith.remsi %add3A_28, %rem3A_29 : i32
      %dma_wait3A = arith.constant 0 : i32
      %dma_wait3A_31 = arith.constant 0 : i32
      %dma_wait3A_32 = tpu.memref_slice %arg9[%rem3A_27, %dma_wait3A, %dma_wait3A_31] : memref<6x128x64xf32, #tpu.memory_space<vmem>> -> memref<1x128x64xf32, #tpu.memory_space<vmem>>
      %dma_wait3A_33 = tpu.memref_squeeze %dma_wait3A_32 : memref<1x128x64xf32, #tpu.memory_space<vmem>> -> memref<128x64xf32, #tpu.memory_space<vmem>>
      %dma_wait3A_34 = arith.constant 0 : i32
      %dma_wait3A_35 = arith.constant 0 : i32
      %dma_wait3A_36 = tpu.memref_slice %arg2[%dma_wait3A_34, %dma_wait3A_35] : memref<10240x64xf32, #tpu.memory_space<hbm>> -> memref<128x64xf32, #tpu.memory_space<hbm>>
      %dma_wait3A_37 = tpu.memref_slice %arg11[%rem3A_27] : memref<6x!tpu.dma_semaphore, #tpu.memory_space<semaphore_mem>> -> memref<1x!tpu.dma_semaphore, #tpu.memory_space<semaphore_mem>>
      %dma_wait3A_38 = tpu.memref_squeeze %dma_wait3A_37 : memref<1x!tpu.dma_semaphore, #tpu.memory_space<semaphore_mem>> -> memref<!tpu.dma_semaphore, #tpu.memory_space<semaphore_mem>>
      %dma_wait3A_39 = arith.constant 0 : i32
      %dma_wait3A_40 = arith.constant 0 : i32
      %dma_wait3A_41 = tpu.memref_slice %arg9[%rem3A_27, %dma_wait3A_39, %dma_wait3A_40] : memref<6x128x64xf32, #tpu.memory_space<vmem>> -> memref<1x128x64xf32, #tpu.memory_space<vmem>>
      %dma_wait3A_42 = tpu.memref_squeeze %dma_wait3A_41 : memref<1x128x64xf32, #tpu.memory_space<vmem>> -> memref<128x64xf32, #tpu.memory_space<vmem>>
      %dma_wait3A_43 = arith.constant 0 : i32
      %dma_wait3A_44 = arith.constant 0 : i32
      %dma_wait3A_45 = tpu.memref_slice %arg2[%dma_wait3A_43, %dma_wait3A_44] : memref<10240x64xf32, #tpu.memory_space<hbm>> -> memref<128x64xf32, #tpu.memory_space<hbm>>
      tpu.wait_dma2 semaphore(%dma_wait3A_38 : memref<!tpu.dma_semaphore, #tpu.memory_space<semaphore_mem>>) src(%dma_wait3A_45 : memref<128x64xf32, #tpu.memory_space<hbm>>) dst(%dma_wait3A_42 : memref<128x64xf32, #tpu.memory_space<vmem>>)
      %dma_start3A = arith.constant 1 : i32
      %dma_start3A_46 = arith.constant 0 : i32
      %dma_start3A_47 = arith.constant 0 : i32
      %dma_start3A_48 = tpu.memref_slice %arg9[%rem3A_27, %dma_start3A_46, %dma_start3A_47] : memref<6x128x64xf32, #tpu.memory_space<vmem>> -> memref<1x128x64xf32, #tpu.memory_space<vmem>>
      %dma_start3A_49 = tpu.memref_squeeze %dma_start3A_48 : memref<1x128x64xf32, #tpu.memory_space<vmem>> -> memref<128x64xf32, #tpu.memory_space<vmem>>
      %dma_start3A_50 = arith.constant 0 : i32
      %dma_start3A_51 = tpu.memref_slice %arg8[%dma_start3A, %scan3A_26, %dma_start3A_50] : memref<2x158x128xi32, #tpu.memory_space<vmem>> -> memref<1x1x128xi32, #tpu.memory_space<vmem>>
      %dma_start3A_52 = tpu.memref_squeeze %dma_start3A_51 : memref<1x1x128xi32, #tpu.memory_space<vmem>> -> memref<128xi32, #tpu.memory_space<vmem>>
      %dma_start3A_53 = arith.constant 0 : i32
      %dma_start3A_54 = arith.constant 0 : i32
      %dma_start3A_55 = tpu.memref_slice %arg10[%dma_start3A_53, %dma_start3A_54] : memref<10240x64xf32, #tpu.memory_space<vmem_shared>> -> memref<10240x64xf32, #tpu.memory_space<vmem_shared>>
      %dma_start3A_56 = tpu.memref_slice %arg12[%rem3A_27] : memref<6x!tpu.dma_semaphore, #tpu.memory_space<semaphore_mem>> -> memref<1x!tpu.dma_semaphore, #tpu.memory_space<semaphore_mem>>
      %dma_start3A_57 = tpu.memref_squeeze %dma_start3A_56 : memref<1x!tpu.dma_semaphore, #tpu.memory_space<semaphore_mem>> -> memref<!tpu.dma_semaphore, #tpu.memory_space<semaphore_mem>>
      tpu.enqueue_indirect_dma source(%dma_start3A_49 : memref<128x64xf32, #tpu.memory_space<vmem>>) target(%dma_start3A_55 : memref<10240x64xf32, #tpu.memory_space<vmem_shared>>) offsets(%dma_start3A_52 : memref<128xi32, #tpu.memory_space<vmem>>) semaphore(%dma_start3A_57 : memref<!tpu.dma_semaphore, #tpu.memory_space<semaphore_mem>>) {add = true}
      %ge3A = arith.constant 3 : i32
      %ge3A_58 = arith.cmpi sge, %scan3A_26, %ge3A : i32
      %convert_element_type3A_59 = arith.extui %ge3A_58 : i1 to i32
      %cond3A_60 = arith.constant 0 : i32
      %cond3A_61 = arith.cmpi ne, %convert_element_type3A_59, %cond3A_60 : i32
      scf.if %cond3A_61 {
        %dma_wait3A_80 = arith.constant 0 : i32
        %dma_wait3A_81 = arith.constant 0 : i32
        %dma_wait3A_82 = tpu.memref_slice %arg9[%rem3A_30, %dma_wait3A_80, %dma_wait3A_81] : memref<6x128x64xf32, #tpu.memory_space<vmem>> -> memref<1x128x64xf32, #tpu.memory_space<vmem>>
        %dma_wait3A_83 = tpu.memref_squeeze %dma_wait3A_82 : memref<1x128x64xf32, #tpu.memory_space<vmem>> -> memref<128x64xf32, #tpu.memory_space<vmem>>
        %dma_wait3A_84 = arith.constant 0 : i32
        %dma_wait3A_85 = arith.constant 0 : i32
        %dma_wait3A_86 = tpu.memref_slice %arg2[%dma_wait3A_84, %dma_wait3A_85] : memref<10240x64xf32, #tpu.memory_space<hbm>> -> memref<128x64xf32, #tpu.memory_space<hbm>>
        %dma_wait3A_87 = tpu.memref_slice %arg12[%rem3A_30] : memref<6x!tpu.dma_semaphore, #tpu.memory_space<semaphore_mem>> -> memref<1x!tpu.dma_semaphore, #tpu.memory_space<semaphore_mem>>
        %dma_wait3A_88 = tpu.memref_squeeze %dma_wait3A_87 : memref<1x!tpu.dma_semaphore, #tpu.memory_space<semaphore_mem>> -> memref<!tpu.dma_semaphore, #tpu.memory_space<semaphore_mem>>
        %dma_wait3A_89 = arith.constant 0 : i32
        %dma_wait3A_90 = arith.constant 0 : i32
        %dma_wait3A_91 = tpu.memref_slice %arg9[%rem3A_30, %dma_wait3A_89, %dma_wait3A_90] : memref<6x128x64xf32, #tpu.memory_space<vmem>> -> memref<1x128x64xf32, #tpu.memory_space<vmem>>
        %dma_wait3A_92 = tpu.memref_squeeze %dma_wait3A_91 : memref<1x128x64xf32, #tpu.memory_space<vmem>> -> memref<128x64xf32, #tpu.memory_space<vmem>>
        %dma_wait3A_93 = arith.constant 0 : i32
        %dma_wait3A_94 = arith.constant 0 : i32
        %dma_wait3A_95 = tpu.memref_slice %arg2[%dma_wait3A_93, %dma_wait3A_94] : memref<10240x64xf32, #tpu.memory_space<hbm>> -> memref<128x64xf32, #tpu.memory_space<hbm>>
        tpu.wait_dma2 semaphore(%dma_wait3A_88 : memref<!tpu.dma_semaphore, #tpu.memory_space<semaphore_mem>>) src(%dma_wait3A_95 : memref<128x64xf32, #tpu.memory_space<hbm>>) dst(%dma_wait3A_92 : memref<128x64xf32, #tpu.memory_space<vmem>>)
      } else {
      }
      %add3A_62 = arith.constant 3 : i32
      %add3A_63 = arith.addi %scan3A_26, %add3A_62 : i32
      %lt3A = arith.constant 158 : i32
      %lt3A_64 = arith.cmpi slt, %add3A_63, %lt3A : i32
      %eq3A_65 = arith.constant 0 : i32
      %eq3A_66 = arith.cmpi eq, %arg0, %eq3A_65 : i32
      %and3A = arith.andi %lt3A_64, %eq3A_66 : i1
      %convert_element_type3A_67 = arith.extui %and3A : i1 to i32
      %cond3A_68 = arith.constant 0 : i32
      %cond3A_69 = arith.cmpi ne, %convert_element_type3A_67, %cond3A_68 : i32
      scf.if %cond3A_69 {
        %add3A_80 = arith.constant 3 : i32
        %add3A_81 = arith.addi %scan3A_26, %add3A_80 : i32
        %dma_start3A_82 = arith.constant 0 : i32
        %dma_start3A_83 = arith.constant 0 : i32
        %dma_start3A_84 = arith.constant 0 : i32
        %dma_start3A_85 = tpu.memref_slice %arg9[%rem3A_30, %dma_start3A_83, %dma_start3A_84] : memref<6x128x64xf32, #tpu.memory_space<vmem>> -> memref<1x128x64xf32, #tpu.memory_space<vmem>>
        %dma_start3A_86 = tpu.memref_squeeze %dma_start3A_85 : memref<1x128x64xf32, #tpu.memory_space<vmem>> -> memref<128x64xf32, #tpu.memory_space<vmem>>
        %dma_start3A_87 = arith.constant 0 : i32
        %dma_start3A_88 = tpu.memref_slice %arg8[%dma_start3A_82, %add3A_81, %dma_start3A_87] : memref<2x158x128xi32, #tpu.memory_space<vmem>> -> memref<1x1x128xi32, #tpu.memory_space<vmem>>
        %dma_start3A_89 = tpu.memref_squeeze %dma_start3A_88 : memref<1x1x128xi32, #tpu.memory_space<vmem>> -> memref<128xi32, #tpu.memory_space<vmem>>
        %dma_start3A_90 = arith.constant 0 : i32
        %dma_start3A_91 = arith.constant 0 : i32
        %dma_start3A_92 = tpu.memref_slice %arg2[%dma_start3A_90, %dma_start3A_91] : memref<10240x64xf32, #tpu.memory_space<hbm>> -> memref<10240x64xf32, #tpu.memory_space<hbm>>
        %dma_start3A_93 = tpu.memref_slice %arg11[%rem3A_30] : memref<6x!tpu.dma_semaphore, #tpu.memory_space<semaphore_mem>> -> memref<1x!tpu.dma_semaphore, #tpu.memory_space<semaphore_mem>>
        %dma_start3A_94 = tpu.memref_squeeze %dma_start3A_93 : memref<1x!tpu.dma_semaphore, #tpu.memory_space<semaphore_mem>> -> memref<!tpu.dma_semaphore, #tpu.memory_space<semaphore_mem>>
        tpu.enqueue_indirect_dma source(%dma_start3A_92 : memref<10240x64xf32, #tpu.memory_space<hbm>>) target(%dma_start3A_86 : memref<128x64xf32, #tpu.memory_space<vmem>>) offsets(%dma_start3A_89 : memref<128xi32, #tpu.memory_space<vmem>>) semaphore(%dma_start3A_94 : memref<!tpu.dma_semaphore, #tpu.memory_space<semaphore_mem>>)
      } else {
      }
      %add3A_70 = arith.constant 3 : i32
      %add3A_71 = arith.addi %scan3A_26, %add3A_70 : i32
      %lt3A_72 = arith.constant 158 : i32
      %lt3A_73 = arith.cmpi slt, %add3A_71, %lt3A_72 : i32
      %eq3A_74 = arith.constant 1 : i32
      %eq3A_75 = arith.cmpi eq, %arg0, %eq3A_74 : i32
      %and3A_76 = arith.andi %lt3A_73, %eq3A_75 : i1
      %convert_element_type3A_77 = arith.extui %and3A_76 : i1 to i32
      %cond3A_78 = arith.constant 0 : i32
      %cond3A_79 = arith.cmpi ne, %convert_element_type3A_77, %cond3A_78 : i32
      scf.if %cond3A_79 {
        %add3A_80 = arith.constant 3 : i32
        %add3A_81 = arith.addi %scan3A_26, %add3A_80 : i32
        %dma_start3A_82 = arith.constant 0 : i32
        %dma_start3A_83 = arith.constant 0 : i32
        %dma_start3A_84 = arith.constant 0 : i32
        %dma_start3A_85 = tpu.memref_slice %arg9[%rem3A_30, %dma_start3A_83, %dma_start3A_84] : memref<6x128x64xf32, #tpu.memory_space<vmem>> -> memref<1x128x64xf32, #tpu.memory_space<vmem>>
        %dma_start3A_86 = tpu.memref_squeeze %dma_start3A_85 : memref<1x128x64xf32, #tpu.memory_space<vmem>> -> memref<128x64xf32, #tpu.memory_space<vmem>>
        %dma_start3A_87 = arith.constant 0 : i32
        %dma_start3A_88 = tpu.memref_slice %arg8[%dma_start3A_82, %add3A_81, %dma_start3A_87] : memref<2x158x128xi32, #tpu.memory_space<vmem>> -> memref<1x1x128xi32, #tpu.memory_space<vmem>>
        %dma_start3A_89 = tpu.memref_squeeze %dma_start3A_88 : memref<1x1x128xi32, #tpu.memory_space<vmem>> -> memref<128xi32, #tpu.memory_space<vmem>>
        %dma_start3A_90 = arith.constant 0 : i32
        %dma_start3A_91 = arith.constant 0 : i32
        %dma_start3A_92 = tpu.memref_slice %arg3[%dma_start3A_90, %dma_start3A_91] : memref<10240x64xf32, #tpu.memory_space<hbm>> -> memref<10240x64xf32, #tpu.memory_space<hbm>>
        %dma_start3A_93 = tpu.memref_slice %arg11[%rem3A_30] : memref<6x!tpu.dma_semaphore, #tpu.memory_space<semaphore_mem>> -> memref<1x!tpu.dma_semaphore, #tpu.memory_space<semaphore_mem>>
        %dma_start3A_94 = tpu.memref_squeeze %dma_start3A_93 : memref<1x!tpu.dma_semaphore, #tpu.memory_space<semaphore_mem>> -> memref<!tpu.dma_semaphore, #tpu.memory_space<semaphore_mem>>
        tpu.enqueue_indirect_dma source(%dma_start3A_92 : memref<10240x64xf32, #tpu.memory_space<hbm>>) target(%dma_start3A_86 : memref<128x64xf32, #tpu.memory_space<vmem>>) offsets(%dma_start3A_89 : memref<128xi32, #tpu.memory_space<vmem>>) semaphore(%dma_start3A_94 : memref<!tpu.dma_semaphore, #tpu.memory_space<semaphore_mem>>)
      } else {
      }
    }
    %scan3A_11 = arith.constant 158 : i32
    %scan3A_12 = arith.constant 0 : i32
    %scan3A_13 = arith.constant 0 : i32
    %scan3A_14 = arith.constant 3 : i32
    %scan3A_15 = arith.addi %scan3A_13, %scan3A_14 : i32
    %scan3A_16 = arith.constant 1 : i32
    scf.for %scan3A_26 = %scan3A_13 to %scan3A_15 step %scan3A_16  : i32 {
      %add3A = arith.constant 155 : i32
      %add3A_27 = arith.addi %add3A, %scan3A_26 : i32
      %rem3A = arith.constant 6 : i32
      %rem3A_28 = arith.remsi %add3A_27, %rem3A : i32
      %dma_wait3A = arith.constant 0 : i32
      %dma_wait3A_29 = arith.constant 0 : i32
      %dma_wait3A_30 = tpu.memref_slice %arg9[%rem3A_28, %dma_wait3A, %dma_wait3A_29] : memref<6x128x64xf32, #tpu.memory_space<vmem>> -> memref<1x128x64xf32, #tpu.memory_space<vmem>>
      %dma_wait3A_31 = tpu.memref_squeeze %dma_wait3A_30 : memref<1x128x64xf32, #tpu.memory_space<vmem>> -> memref<128x64xf32, #tpu.memory_space<vmem>>
      %dma_wait3A_32 = arith.constant 0 : i32
      %dma_wait3A_33 = arith.constant 0 : i32
      %dma_wait3A_34 = tpu.memref_slice %arg2[%dma_wait3A_32, %dma_wait3A_33] : memref<10240x64xf32, #tpu.memory_space<hbm>> -> memref<128x64xf32, #tpu.memory_space<hbm>>
      %dma_wait3A_35 = tpu.memref_slice %arg12[%rem3A_28] : memref<6x!tpu.dma_semaphore, #tpu.memory_space<semaphore_mem>> -> memref<1x!tpu.dma_semaphore, #tpu.memory_space<semaphore_mem>>
      %dma_wait3A_36 = tpu.memref_squeeze %dma_wait3A_35 : memref<1x!tpu.dma_semaphore, #tpu.memory_space<semaphore_mem>> -> memref<!tpu.dma_semaphore, #tpu.memory_space<semaphore_mem>>
      %dma_wait3A_37 = arith.constant 0 : i32
      %dma_wait3A_38 = arith.constant 0 : i32
      %dma_wait3A_39 = tpu.memref_slice %arg9[%rem3A_28, %dma_wait3A_37, %dma_wait3A_38] : memref<6x128x64xf32, #tpu.memory_space<vmem>> -> memref<1x128x64xf32, #tpu.memory_space<vmem>>
      %dma_wait3A_40 = tpu.memref_squeeze %dma_wait3A_39 : memref<1x128x64xf32, #tpu.memory_space<vmem>> -> memref<128x64xf32, #tpu.memory_space<vmem>>
      %dma_wait3A_41 = arith.constant 0 : i32
      %dma_wait3A_42 = arith.constant 0 : i32
      %dma_wait3A_43 = tpu.memref_slice %arg2[%dma_wait3A_41, %dma_wait3A_42] : memref<10240x64xf32, #tpu.memory_space<hbm>> -> memref<128x64xf32, #tpu.memory_space<hbm>>
      tpu.wait_dma2 semaphore(%dma_wait3A_36 : memref<!tpu.dma_semaphore, #tpu.memory_space<semaphore_mem>>) src(%dma_wait3A_43 : memref<128x64xf32, #tpu.memory_space<hbm>>) dst(%dma_wait3A_40 : memref<128x64xf32, #tpu.memory_space<vmem>>)
    }
    %scan3A_17 = arith.constant 3 : i32
    %barrier3A_18 = arith.constant 0 : index
    tpu.barrier barrier_id(%barrier3A_18)
    %eq3A = arith.constant 0 : i32
    %eq3A_19 = arith.cmpi eq, %arg0, %eq3A : i32
    %convert_element_type3A = arith.extui %eq3A_19 : i1 to i32
    %cond3A = arith.constant 0 : i32
    %cond3A_20 = arith.cmpi ne, %convert_element_type3A, %cond3A : i32
    scf.if %cond3A_20 {
      %mul3A_26 = arith.constant 640 : i32
      %mul3A_27 = arith.muli %arg1, %mul3A_26 : i32
      %mul3A_28 = arith.constant 640 : i32
      %mul3A_29 = arith.muli %arg1, %mul3A_28 : i32
      "tpu.region"() ({
        %run_scoped3A = tpu.sem_alloc : memref<!tpu.dma_semaphore, #tpu.memory_space<semaphore_mem>>
        %dma_start3A = arith.constant 0 : i32
        %dma_start3A_30 = tpu.memref_slice %arg6[%mul3A_29, %dma_start3A] : memref<10240x64xf32, #tpu.memory_space<hbm>> -> memref<640x64xf32, #tpu.memory_space<hbm>>
        %dma_start3A_31 = arith.constant 0 : i32
        %dma_start3A_32 = tpu.memref_slice %arg10[%mul3A_27, %dma_start3A_31] : memref<10240x64xf32, #tpu.memory_space<vmem_shared>> -> memref<640x64xf32, #tpu.memory_space<vmem_shared>>
        tpu.enqueue_dma source(%dma_start3A_32 : memref<640x64xf32, #tpu.memory_space<vmem_shared>>) target(%dma_start3A_30 : memref<640x64xf32, #tpu.memory_space<hbm>>) target_semaphore(%run_scoped3A : memref<!tpu.dma_semaphore, #tpu.memory_space<semaphore_mem>>)
        %dma_wait3A = arith.constant 0 : i32
        %dma_wait3A_33 = tpu.memref_slice %arg6[%mul3A_29, %dma_wait3A] : memref<10240x64xf32, #tpu.memory_space<hbm>> -> memref<640x64xf32, #tpu.memory_space<hbm>>
        %dma_wait3A_34 = arith.constant 0 : i32
        %dma_wait3A_35 = tpu.memref_slice %arg10[%mul3A_27, %dma_wait3A_34] : memref<10240x64xf32, #tpu.memory_space<vmem_shared>> -> memref<640x64xf32, #tpu.memory_space<vmem_shared>>
        tpu.wait_dma2 semaphore(%run_scoped3A : memref<!tpu.dma_semaphore, #tpu.memory_space<semaphore_mem>>) src(%dma_wait3A_35 : memref<640x64xf32, #tpu.memory_space<vmem_shared>>) dst(%dma_wait3A_33 : memref<640x64xf32, #tpu.memory_space<hbm>>)
        tpu.yield
      }) : () -> ()
    } else {
    }
    %eq3A_21 = arith.constant 1 : i32
    %eq3A_22 = arith.cmpi eq, %arg0, %eq3A_21 : i32
    %convert_element_type3A_23 = arith.extui %eq3A_22 : i1 to i32
    %cond3A_24 = arith.constant 0 : i32
    %cond3A_25 = arith.cmpi ne, %convert_element_type3A_23, %cond3A_24 : i32
    scf.if %cond3A_25 {
      %mul3A_26 = arith.constant 640 : i32
      %mul3A_27 = arith.muli %arg1, %mul3A_26 : i32
      %mul3A_28 = arith.constant 640 : i32
      %mul3A_29 = arith.muli %arg1, %mul3A_28 : i32
      "tpu.region"() ({
        %run_scoped3A = tpu.sem_alloc : memref<!tpu.dma_semaphore, #tpu.memory_space<semaphore_mem>>
        %dma_start3A = arith.constant 0 : i32
        %dma_start3A_30 = tpu.memref_slice %arg7[%mul3A_29, %dma_start3A] : memref<10240x64xf32, #tpu.memory_space<hbm>> -> memref<640x64xf32, #tpu.memory_space<hbm>>
        %dma_start3A_31 = arith.constant 0 : i32
        %dma_start3A_32 = tpu.memref_slice %arg10[%mul3A_27, %dma_start3A_31] : memref<10240x64xf32, #tpu.memory_space<vmem_shared>> -> memref<640x64xf32, #tpu.memory_space<vmem_shared>>
        tpu.enqueue_dma source(%dma_start3A_32 : memref<640x64xf32, #tpu.memory_space<vmem_shared>>) target(%dma_start3A_30 : memref<640x64xf32, #tpu.memory_space<hbm>>) target_semaphore(%run_scoped3A : memref<!tpu.dma_semaphore, #tpu.memory_space<semaphore_mem>>)
        %dma_wait3A = arith.constant 0 : i32
        %dma_wait3A_33 = tpu.memref_slice %arg7[%mul3A_29, %dma_wait3A] : memref<10240x64xf32, #tpu.memory_space<hbm>> -> memref<640x64xf32, #tpu.memory_space<hbm>>
        %dma_wait3A_34 = arith.constant 0 : i32
        %dma_wait3A_35 = tpu.memref_slice %arg10[%mul3A_27, %dma_wait3A_34] : memref<10240x64xf32, #tpu.memory_space<vmem_shared>> -> memref<640x64xf32, #tpu.memory_space<vmem_shared>>
        tpu.wait_dma2 semaphore(%run_scoped3A : memref<!tpu.dma_semaphore, #tpu.memory_space<semaphore_mem>>) src(%dma_wait3A_35 : memref<640x64xf32, #tpu.memory_space<vmem_shared>>) dst(%dma_wait3A_33 : memref<640x64xf32, #tpu.memory_space<hbm>>)
        tpu.yield
      }) : () -> ()
    } else {
    }
    return
  }
}

module attributes {stable_mosaic.version = 14 : i64} {
  func.func @_matmul_body(%arg0: i32, %arg1: memref<1024x128xf32, #tpu.memory_space<vmem>>, %arg2: memref<2x1024xf32, #tpu.memory_space<vmem>>, %arg3: memref<128x128xf32, #tpu.memory_space<vmem>>, %arg4: memref<1024x64xf32, #tpu.memory_space<vmem>>, %arg5: memref<1024x64xf32, #tpu.memory_space<vmem>>) attributes {dimension_semantics = [#tpu.dimension_semantics<arbitrary>], iteration_bounds = array<i64: 10>, scalar_prefetch = 0 : i64, scratch_operands = 0 : i64, tpu.core_type = #tpu.core_type<tc>, window_params = [{transform_indices = @transform_0, window_bounds = array<i64: 1024, 128>}, {transform_indices = @transform_1, window_bounds = array<i64: 2, 1024>}, {pipeline_mode = #tpu.pipeline_mode<synchronous>, transform_indices = @transform_2, window_bounds = array<i64: 128, 128>}, {transform_indices = @transform_3, window_bounds = array<i64: 1024, 64>}, {transform_indices = @transform_4, window_bounds = array<i64: 1024, 64>}]} {
    %get3A = arith.constant 0 : index
    %get3A_0 = arith.constant 0 : index
    %get3A_1 = vector.load %arg2[%get3A, %get3A_0] : memref<2x1024xf32, #tpu.memory_space<vmem>>, vector<1x1024xf32>
    %get3A_2 = vector.shape_cast %get3A_1 : vector<1x1024xf32> to vector<1024xf32>
    %get3A_3 = arith.constant 1 : index
    %get3A_4 = arith.constant 0 : index
    %get3A_5 = vector.load %arg2[%get3A_3, %get3A_4] : memref<2x1024xf32, #tpu.memory_space<vmem>>, vector<1x1024xf32>
    %get3A_6 = vector.shape_cast %get3A_5 : vector<1x1024xf32> to vector<1024xf32>
    %add3A = arith.addf %get3A_2, %get3A_6 : vector<1024xf32>
    %add3A_7 = arith.constant 1.000000e+00 : f32
    %add3A_8 = vector.broadcast %add3A_7 : f32 to vector<1024xf32>
    %add3A_9 = arith.addf %add3A, %add3A_8 : vector<1024xf32>
    %rsqrt3A = math.rsqrt %add3A_9 : vector<1024xf32>
    %get3A_10 = arith.constant 0 : index
    %get3A_11 = arith.constant 0 : index
    %get3A_12 = vector.load %arg1[%get3A_10, %get3A_11] : memref<1024x128xf32, #tpu.memory_space<vmem>>, vector<1024x128xf32>
    %get3A_13 = arith.constant 0 : index
    %get3A_14 = arith.constant 0 : index
    %get3A_15 = vector.load %arg3[%get3A_13, %get3A_14] : memref<128x128xf32, #tpu.memory_space<vmem>>, vector<128x128xf32>
    %dot_general3A = arith.constant dense<0.000000e+00> : vector<1024x128xf32>
    %dot_general3A_16 = tpu.matmul %get3A_12, %get3A_15, %dot_general3A {dimension_numbers = #tpu.dot_dimension_numbers<[1], [0], [0], [1], [0, 0, 1, 1], [], []>, transpose_lhs_hint = false} : vector<1024x128xf32>, vector<128x128xf32>, vector<1024x128xf32> -> vector<1024x128xf32>
    %broadcast_in_dim3A = vector.shape_cast %rsqrt3A : vector<1024xf32> to vector<1024x1xf32>
    %mul3A = vector.broadcast %broadcast_in_dim3A : vector<1024x1xf32> to vector<1024x128xf32>
    %mul3A_17 = arith.mulf %dot_general3A_16, %mul3A : vector<1024x128xf32>
    %slice3A = vector.extract_strided_slice %mul3A_17 {offsets = [0, 0], sizes = [1024, 64], strides = [1, 1]} : vector<1024x128xf32> to vector<1024x64xf32>
    %swap3A = arith.constant 0 : index
    %swap3A_18 = arith.constant 0 : index
    %swap3A_19 = vector.load %arg4[%swap3A, %swap3A_18] : memref<1024x64xf32, #tpu.memory_space<vmem>>, vector<1024x64xf32>
    tpu.vector_store %arg4[%swap3A, %swap3A_18], %slice3A {strides = array<i32>} : memref<1024x64xf32, #tpu.memory_space<vmem>>, vector<1024x64xf32>,
    %slice3A_20 = vector.extract_strided_slice %mul3A_17 {offsets = [0, 64], sizes = [1024, 64], strides = [1, 1]} : vector<1024x128xf32> to vector<1024x64xf32>
    %swap3A_21 = arith.constant 0 : index
    %swap3A_22 = arith.constant 0 : index
    %swap3A_23 = vector.load %arg5[%swap3A_21, %swap3A_22] : memref<1024x64xf32, #tpu.memory_space<vmem>>, vector<1024x64xf32>
    tpu.vector_store %arg5[%swap3A_21, %swap3A_22], %slice3A_20 {strides = array<i32>} : memref<1024x64xf32, #tpu.memory_space<vmem>>, vector<1024x64xf32>,
    return
  }
  func.func @transform_0(%arg0: i32) -> (i32, i32) {
    %c0_i32 = arith.constant 0 : i32
    %c0_i32_0 = arith.constant 0 : i32
    return %arg0, %c0_i32 : i32, i32
  }
  func.func @transform_1(%arg0: i32) -> (i32, i32) {
    %c0_i32 = arith.constant 0 : i32
    %c0_i32_0 = arith.constant 0 : i32
    return %c0_i32, %arg0 : i32, i32
  }
  func.func @transform_2(%arg0: i32) -> (i32, i32) {
    %c0_i32 = arith.constant 0 : i32
    %c0_i32_0 = arith.constant 0 : i32
    %c0_i32_1 = arith.constant 0 : i32
    return %c0_i32, %c0_i32_0 : i32, i32
  }
  func.func @transform_3(%arg0: i32) -> (i32, i32) {
    %c0_i32 = arith.constant 0 : i32
    %c0_i32_0 = arith.constant 0 : i32
    return %arg0, %c0_i32 : i32, i32
  }
  func.func @transform_4(%arg0: i32) -> (i32, i32) {
    %c0_i32 = arith.constant 0 : i32
    %c0_i32_0 = arith.constant 0 : i32
    return %arg0, %c0_i32 : i32, i32
  }
}

module attributes {stable_mosaic.version = 14 : i64} {
  func.func @_finish_body(%arg0: i32, %arg1: memref<1024x64xf32, #tpu.memory_space<vmem>>, %arg2: memref<1024x64xf32, #tpu.memory_space<vmem>>, %arg3: memref<1024x64xf32, #tpu.memory_space<vmem>>, %arg4: memref<1024x64xf32, #tpu.memory_space<vmem>>, %arg5: memref<2x1024xf32, #tpu.memory_space<vmem>>, %arg6: memref<1x128xf32, #tpu.memory_space<vmem>>, %arg7: memref<1x128xf32, #tpu.memory_space<vmem>>, %arg8: memref<1024x128xf32, #tpu.memory_space<vmem>>) attributes {dimension_semantics = [#tpu.dimension_semantics<arbitrary>], iteration_bounds = array<i64: 10>, scalar_prefetch = 0 : i64, scratch_operands = 0 : i64, tpu.core_type = #tpu.core_type<tc>, window_params = [{transform_indices = @transform_0, window_bounds = array<i64: 1024, 64>}, {transform_indices = @transform_1, window_bounds = array<i64: 1024, 64>}, {transform_indices = @transform_2, window_bounds = array<i64: 1024, 64>}, {transform_indices = @transform_3, window_bounds = array<i64: 1024, 64>}, {transform_indices = @transform_4, window_bounds = array<i64: 2, 1024>}, {pipeline_mode = #tpu.pipeline_mode<synchronous>, transform_indices = @transform_5, window_bounds = array<i64: 1, 128>}, {pipeline_mode = #tpu.pipeline_mode<synchronous>, transform_indices = @transform_6, window_bounds = array<i64: 1, 128>}, {transform_indices = @transform_7, window_bounds = array<i64: 1024, 128>}]} {
    %get3A = arith.constant 0 : index
    %get3A_0 = arith.constant 0 : index
    %get3A_1 = vector.load %arg5[%get3A, %get3A_0] : memref<2x1024xf32, #tpu.memory_space<vmem>>, vector<1x1024xf32>
    %get3A_2 = vector.shape_cast %get3A_1 : vector<1x1024xf32> to vector<1024xf32>
    %get3A_3 = arith.constant 1 : index
    %get3A_4 = arith.constant 0 : index
    %get3A_5 = vector.load %arg5[%get3A_3, %get3A_4] : memref<2x1024xf32, #tpu.memory_space<vmem>>, vector<1x1024xf32>
    %get3A_6 = vector.shape_cast %get3A_5 : vector<1x1024xf32> to vector<1024xf32>
    %add3A = arith.addf %get3A_2, %get3A_6 : vector<1024xf32>
    %add3A_7 = arith.constant 1.000000e+00 : f32
    %add3A_8 = vector.broadcast %add3A_7 : f32 to vector<1024xf32>
    %add3A_9 = arith.addf %add3A, %add3A_8 : vector<1024xf32>
    %rsqrt3A = math.rsqrt %add3A_9 : vector<1024xf32>
    %get3A_10 = arith.constant 0 : index
    %get3A_11 = arith.constant 0 : index
    %get3A_12 = vector.load %arg1[%get3A_10, %get3A_11] : memref<1024x64xf32, #tpu.memory_space<vmem>>, vector<1024x64xf32>
    %get3A_13 = arith.constant 0 : index
    %get3A_14 = arith.constant 0 : index
    %get3A_15 = vector.load %arg3[%get3A_13, %get3A_14] : memref<1024x64xf32, #tpu.memory_space<vmem>>, vector<1024x64xf32>
    %add3A_16 = arith.addf %get3A_12, %get3A_15 : vector<1024x64xf32>
    %get3A_17 = arith.constant 0 : index
    %get3A_18 = arith.constant 0 : index
    %get3A_19 = vector.load %arg2[%get3A_17, %get3A_18] : memref<1024x64xf32, #tpu.memory_space<vmem>>, vector<1024x64xf32>
    %get3A_20 = arith.constant 0 : index
    %get3A_21 = arith.constant 0 : index
    %get3A_22 = vector.load %arg4[%get3A_20, %get3A_21] : memref<1024x64xf32, #tpu.memory_space<vmem>>, vector<1024x64xf32>
    %add3A_23 = arith.addf %get3A_19, %get3A_22 : vector<1024x64xf32>
    %concatenate3A = tpu.concatenate %add3A_16, %add3A_23 in 1 : vector<1024x64xf32>, vector<1024x64xf32> -> vector<1024x128xf32>
    %broadcast_in_dim3A = vector.shape_cast %rsqrt3A : vector<1024xf32> to vector<1024x1xf32>
    %mul3A = vector.broadcast %broadcast_in_dim3A : vector<1024x1xf32> to vector<1024x128xf32>
    %mul3A_24 = arith.mulf %concatenate3A, %mul3A : vector<1024x128xf32>
    %get3A_25 = arith.constant 0 : index
    %get3A_26 = arith.constant 0 : index
    %get3A_27 = vector.load %arg6[%get3A_25, %get3A_26] : memref<1x128xf32, #tpu.memory_space<vmem>>, vector<1x128xf32>
    %add3A_28 = vector.broadcast %get3A_27 : vector<1x128xf32> to vector<1024x128xf32>
    %add3A_29 = arith.addf %mul3A_24, %add3A_28 : vector<1024x128xf32>
    %ge3A = arith.constant 0.000000e+00 : f32
    %ge3A_30 = vector.broadcast %ge3A : f32 to vector<1024x128xf32>
    %ge3A_31 = arith.cmpf oge, %add3A_29, %ge3A_30 : vector<1024x128xf32>
    %get3A_32 = arith.constant 0 : index
    %get3A_33 = arith.constant 0 : index
    %get3A_34 = vector.load %arg7[%get3A_32, %get3A_33] : memref<1x128xf32, #tpu.memory_space<vmem>>, vector<1x128xf32>
    %mul3A_35 = vector.broadcast %get3A_34 : vector<1x128xf32> to vector<1024x128xf32>
    %mul3A_36 = arith.mulf %mul3A_35, %add3A_29 : vector<1024x128xf32>
    %select_n3A = arith.select %ge3A_31, %add3A_29, %mul3A_36 : vector<1024x128xi1>, vector<1024x128xf32>
    %swap3A = arith.constant 0 : index
    %swap3A_37 = arith.constant 0 : index
    %swap3A_38 = vector.load %arg8[%swap3A, %swap3A_37] : memref<1024x128xf32, #tpu.memory_space<vmem>>, vector<1024x128xf32>
    tpu.vector_store %arg8[%swap3A, %swap3A_37], %select_n3A {strides = array<i32>} : memref<1024x128xf32, #tpu.memory_space<vmem>>, vector<1024x128xf32>,
    return
  }
  func.func @transform_0(%arg0: i32) -> (i32, i32) {
    %c0_i32 = arith.constant 0 : i32
    %c0_i32_0 = arith.constant 0 : i32
    return %arg0, %c0_i32 : i32, i32
  }
  func.func @transform_1(%arg0: i32) -> (i32, i32) {
    %c0_i32 = arith.constant 0 : i32
    %c0_i32_0 = arith.constant 0 : i32
    return %arg0, %c0_i32 : i32, i32
  }
  func.func @transform_2(%arg0: i32) -> (i32, i32) {
    %c0_i32 = arith.constant 0 : i32
    %c0_i32_0 = arith.constant 0 : i32
    return %arg0, %c0_i32 : i32, i32
  }
  func.func @transform_3(%arg0: i32) -> (i32, i32) {
    %c0_i32 = arith.constant 0 : i32
    %c0_i32_0 = arith.constant 0 : i32
    return %arg0, %c0_i32 : i32, i32
  }
  func.func @transform_4(%arg0: i32) -> (i32, i32) {
    %c0_i32 = arith.constant 0 : i32
    %c0_i32_0 = arith.constant 0 : i32
    return %c0_i32, %arg0 : i32, i32
  }
  func.func @transform_5(%arg0: i32) -> (i32, i32) {
    %c0_i32 = arith.constant 0 : i32
    %c0_i32_0 = arith.constant 0 : i32
    %c0_i32_1 = arith.constant 0 : i32
    return %c0_i32, %c0_i32_0 : i32, i32
  }
  func.func @transform_6(%arg0: i32) -> (i32, i32) {
    %c0_i32 = arith.constant 0 : i32
    %c0_i32_0 = arith.constant 0 : i32
    %c0_i32_1 = arith.constant 0 : i32
    return %c0_i32, %c0_i32_0 : i32, i32
  }
  func.func @transform_7(%arg0: i32) -> (i32, i32) {
    %c0_i32 = arith.constant 0 : i32
    %c0_i32_0 = arith.constant 0 : i32
    return %arg0, %c0_i32 : i32, i32
  }
}

</mosaic_0001>

<sc_bundles>
// kernel: kernel.6.cloned.1.call-start
scs
__scs_entry_jumppad:
0x0: {  	(pc) =	sbr.rel $0x88, $3  }
0x1: {  	(tag) =	ssettag $0x0;
	lr =	simm.s32 $0x1  }
0x2: {  	[smem:$0x3F9C] =	sst lr;
	_ =	strace $0xD0000000  }
0x3: {  	_ = 	snop  }
0x4: {  	_ = 	snop  }
0x5: {  	_ = 	snop  }
0x6: {  	_ = 	snop  }
0x7: {  	_ = 	snop  }
__scs_overlays_trampoline_lowered:
0x8: {  	[smem:$0x3FAB] =	sst s0  }
0x9: {  	[smem:$0x3FAC] =	sst s1  }
0xa: {  	[smem:$0x3FAD] =	sst s2  }
0xb: {  	[smem:$0x3FAE] =	sst s3  }
0xc: {  	[smem:$0x3FAF] =	sst s4  }
0xd: {  	[smem:$0x3FB0] =	sst s5  }
0xe: {  	[smem:$0x3FB1] =	sst s6  }
0xf: {  	[smem:$0x3FB2] =	sst s7  }
0x10: {  	[smem:$0x3FB3] =	sst s8  }
0x11: {  	[smem:$0x3FB4] =	sst s9;
	s0 =	simm.s32 @!p0 $0x0  }
0x12: {  	s1 =	sld [smem:$0x3F9A];
	s0 =	simm.s32 @p0 $0x1  }
0x13: {  	[smem:$0x3FB5] =	sst s0;
	s0 =	simm.s32 @!p1 $0x0  }
0x14: {  	s2 =	sld [smem:$0x3F99];
	s0 =	simm.s32 @p1 $0x1  }
0x15: {  	[smem:$0x3FB6] =	sst s0;
	s0 =	simm.s32 @!p2 $0x0  }
0x16: {  	s3 =	sld [smem:$0x3FDB];
	s0 =	simm.s32 @p2 $0x1  }
0x17: {  	s4 =	simm.s32 $0x1BF5;
	[smem:$0x3FB8] =	sst s0  }
0x18: {  	s0 =	sld [smem:$0x3F9B];
	_ =	swait.ge [sflag:s4], $0x0  }
0x19: {  	s7 =	sld [smem:$0x3F9C]  }
0x1a: {  	s8 =	sadd.s32 $0xFFFFE003, lr  }
0x1b: {  	s9 =	sadd.s32 $0xFFFFFEF7, lr;
	s5 =	simm.s32 $0xFFFFFFFF;
	p2 =	slt.u32 s8, $0xFFFFF086  }
0x1c: {  	p1 =	slt.u32 s9, $0xF7A;
	s5 =	simm.s32 @!p2 $0x0  }
0x1d: {  	s5 =	simm.s32 @p1 $0x1;
	p0 =	seq.s32 s7, s2  }
0x1e: {  	s7 =	smul.u32 @!p0 $0xF7A, s2;
	p2 =	seq.s32 @!p0 s5, $0x0  }
0x1f: {  	s9 =	smul.u32 $0xF7A, s1;
	s8 =	simm.s32 @!p0 $0x1BF5;
	p2 =	por !p2, p0  }
0x20: {  	[sflag:s8] =	ssyncset.s32 @!p0 $0xFFFFF086;
	s6 =	sadd.s32 @!p0 s3, s7;
	s7 =	simm.s32 @!p0 $0x108  }
0x21: {  	s3 =	sadd.s32 s3, s9;
	s6 =	sadd.s32 @!p0 $0x88, s6;
	s7 =	simm.s32 @p2 $0x1082  }
0x22: {  	[simem:s7], [sflag:s8] =	dma.local @!p0 [hbm:s6], $0xF7A  }
0x23: {  	s9 =	sor.u32 $0xD0000000, s2;
	s6 =	simm.s32 $0x108;
	_ =	swait.ge @!p0 [sflag:s8], $0x0  }
0x24: {  	s3 =	sadd.s32 $0x88, s3;
	s6 =	simm.s32 @!p1 $0x1082;
	[sflag:s4] =	ssyncset.s32 $0xFFFFF086  }
0x25: {  	[simem:s6], [sflag:s4] =	dma.local [hbm:s3], $0xF7A  }
0x26: {  	[smem:$0x3F9C] =	sst s1;
	(tag) =	ssettag s2;
	_ =	strace s9  }
0x27: {  	s1 =	sld [smem:$0x3FAC]  }
0x28: {  	s2 =	sld [smem:$0x3FAD]  }
0x29: {  	s4 =	sld [smem:$0x3FAF]  }
0x2a: {  	p0 =	seq.s32 s5, $0x0;
	s5 =	sld [smem:$0x3FB0]  }
0x2b: {  	s6 =	sld [smem:$0x3FB1]  }
0x2c: {  	s7 =	sld [smem:$0x3FB2]  }
0x2d: {  	s3 =	simm.s32 $0x108;
	s8 =	sld [smem:$0x3FB3]  }
0x2e: {  	s3 =	simm.s32 @!p0 $0x1082;
	s9 =	sld [smem:$0x3FB4]  }
0x2f: {  	lr =	sadd.s32 s0, s3;
	s0 =	sld [smem:$0x3FAB]  }
0x30: {  	s3 =	sld [smem:$0x3FAE]  }
0x31: {  	[smem:$0x3FB7] =	sst s10  }
0x32: {  	s10 =	sld [smem:$0x3FB5];
	_ =	sdelay $0x3  }
0x33: {  	p0 =	seq.s32 s10, $0x1;
	s10 =	sld [smem:$0x3FB7];
	_ =	sdelay $0x3  }
0x34: {  	[smem:$0x3FB7] =	sst s10  }
0x35: {  	s10 =	sld [smem:$0x3FB6];
	_ =	sdelay $0x3  }
0x36: {  	p1 =	seq.s32 s10, $0x1;
	s10 =	sld [smem:$0x3FB7];
	_ =	sdelay $0x3  }
0x37: {  	[smem:$0x3FB7] =	sst s10  }
0x38: {  	s10 =	sld [smem:$0x3FB8]  }
0x39: {  	_ = 	snop;
	(pc) =	sbr.ind lr, $3  }
0x3a: {  	_ = 	snop  }
0x3b: {  	_ = 	snop  }
0x3c: {  	p2 =	seq.s32 s10, $0x1;
	s10 =	sld [smem:$0x3FB7]  }
0x3d: {  	_ =	shalt  }
0x3e: {  	_ =	shalt  }
0x3f: {  	_ =	shalt  }
0x40: {  	_ =	shalt  }
0x41: {  	_ =	shalt  }
0x42: {  	_ =	shalt  }
0x43: {  	_ =	shalt  }
0x44: {  	_ =	shalt  }
0x45: {  	_ =	shalt  }
0x46: {  	_ =	shalt  }
0x47: {  	_ =	shalt  }
0x48: {  	_ =	shalt  }
0x49: {  	_ =	shalt  }
0x4a: {  	_ =	shalt  }
0x4b: {  	_ =	shalt  }
0x4c: {  	_ =	shalt  }
0x4d: {  	_ =	shalt  }
0x4e: {  	_ =	shalt  }
0x4f: {  	_ =	shalt  }
0x50: {  	_ =	shalt  }
0x51: {  	_ =	shalt  }
0x52: {  	_ =	shalt  }
0x53: {  	_ =	shalt  }
0x54: {  	_ =	shalt  }
0x55: {  	_ =	shalt  }
0x56: {  	_ =	shalt  }
0x57: {  	_ =	shalt  }
0x58: {  	_ =	shalt  }
0x59: {  	_ =	shalt  }
0x5a: {  	_ =	shalt  }
0x5b: {  	_ =	shalt  }
0x5c: {  	_ =	shalt  }
0x5d: {  	_ =	shalt  }
0x5e: {  	_ =	shalt  }
0x5f: {  	_ =	shalt  }
0x60: {  	_ =	shalt  }
0x61: {  	_ =	shalt  }
0x62: {  	_ =	shalt  }
0x63: {  	_ =	shalt  }
0x64: {  	_ =	shalt  }
0x65: {  	_ =	shalt  }
0x66: {  	_ =	shalt  }
0x67: {  	_ =	shalt  }
0x68: {  	_ =	shalt  }
0x69: {  	_ =	shalt  }
0x6a: {  	_ =	shalt  }
0x6b: {  	_ =	shalt  }
0x6c: {  	_ =	shalt  }
0x6d: {  	_ =	shalt  }
0x6e: {  	_ =	shalt  }
0x6f: {  	_ =	shalt  }
0x70: {  	_ =	shalt  }
0x71: {  	_ =	shalt  }
0x72: {  	_ =	shalt  }
0x73: {  	_ =	shalt  }
0x74: {  	_ =	shalt  }
0x75: {  	_ =	shalt  }
0x76: {  	_ =	shalt  }
0x77: {  	_ =	shalt  }
0x78: {  	_ =	shalt  }
0x79: {  	_ =	shalt  }
0x7a: {  	_ =	shalt  }
0x7b: {  	_ =	shalt  }
0x7c: {  	_ =	shalt  }
0x7d: {  	_ =	shalt  }
0x7e: {  	_ =	shalt  }
0x7f: {  	_ =	shalt  }
0x80: {  	_ =	shalt  }
0x81: {  	_ =	shalt  }
0x82: {  	_ =	shalt  }
0x83: {  	_ =	shalt  }
0x84: {  	_ =	shalt  }
0x85: {  	_ =	shalt  }
0x86: {  	_ =	shalt  }
0x87: {  	_ =	shalt  }
.Lfunc_end0:
.L_simem_size_0:
called_computation_lowered:
.L_overlay_start_0:
0x88: {  	s2 =	sld [smem:$0x3FD9]  }
0x89: {  	s3 =	sld [smem:$0x3FFE];
	_ =	sdelay $0x1  }
0x8a: {  	s1 =	srdreg.scid  }
0x8b: {  	s0 =	sand.u32 $0x1, s1  }
0x8c: {  	s17 =	sshll.u32 s0, $0xA;
	s2 =	sadd.s32 s3, s2  }
0x8d: {  	s2 =	sadd.s32 s2, s17  }
0x8e: {  	[smem:$0x3FC3] =	sst s2  }
0x8f: {  	_ = 	snop  }
0x90: {  	s2 =	sld [smem:$0x3FD0];
	(tm) =	ssettm $0x1  }
0x91: {  	s18 =	sld [smem:$0x3FFB];
	_ =	sdelay $0x3  }
0x92: {  	_ =	strace s18  }
0x93: {  	s3 =	sld [smem:$0x3FFC];
	_ =	sdelay $0x3  }
0x94: {  	_ =	strace s3  }
0x95: {  	s3 =	sld [smem:$0x3FFD];
	_ =	sdelay $0x3  }
0x96: {  	_ =	strace s3  }
0x97: {  	_ =	strace $0x8FFFFFFF  }
0x98: {  	s19 =	sld [smem:$0x3FDB];
	_ =	sdelay $0x1  }
0x99: {  	s4 =	simm.s32 $_scs_section_size  }
0x9a: {  	s5 =	simm.s32 $_size__tile_overlayer_lowered;
	s6 =	simm.s32 $_tile_overlayer_lowered  }
0x9b: {  	s22 =	simm.s32 $0x1BFF;
	s21 =	sshll.u32 s6, $0x1;
	s3 =	sadd.s32 s4, s19  }
0x9c: {  	s7 =	simm.s32 $0x0;
	s20 =	sshll.u32 s5, $0x1;
	s5 =	sadd.s32 s21, s3  }
0x9d: {  	[timem:s7], [sflag:s22] =	dma.local [hbm:s5], s20  }
0x9e: {  	_ =	swait.ge [sflag:s22], s20  }
0x9f: {  	s4 =	ssub.s32 $0x0, s20;
	[sflag:s22] =	ssyncset.done $0x0  }
0xa0: {  	[sflag:s22] =	ssyncadd.s32 s4;
	_ =	sdelay $0x1  }
0xa1: {  	s23 =	simm.s32 $0x1B8B  }
0xa2: {  	_ =	swait.ge [sflag:s23], $0x1  }
0xa3: {  	[sflag:s23] =	ssyncset.done $0x0  }
0xa4: {  	s25 =	simm.s32 $0x1B8E;
	s24 =	sld [smem:$0x3FFE];
	[sflag:s23] =	ssyncadd.s32 $0xFFFFFFFF  }
0xa5: {  	s26 =	simm.s32 $execute0_lowered;
	[smem:$0x3FD2] =	sst s25  }
0xa6: {  	s5 =	sshll.u32 s26, $0x1;
	_ =	strace $0x80000046;
	[dreg:$0x1] =	wrdreg $0xFFFFFFFF  }
0xa7: {  	s28 =	simm.s32 $_size_execute0_lowered;
	s3 =	sadd.s32 s3, s5;
	[dreg:$0x0] =	wrdreg $0x0  }
0xa8: {  	s5 =	sshll.u32 s28, $0x1;
	[dreg:$0x2] =	wrdreg s3  }
0xa9: {  	[dreg:$0x3] =	wrdreg s5  }
0xaa: {  	[dreg:$0x4] =	wrdreg $0xC0  }
0xab: {  	_ =	task [dreg:s7], $0x5FFFF  }
0xac: {  	[dreg:$0x1] =	wrdreg $0xFFFFFFFF  }
0xad: {  	[dreg:$0x0] =	wrdreg $0x60  }
0xae: {  	[dreg:$0x2] =	wrdreg s2  }
0xaf: {  	[dreg:$0x3] =	wrdreg s24  }
0xb0: {  	[dreg:$0x4] =	wrdreg $0x2B000  }
0xb1: {  	[dreg:$0x5] =	wrdreg $0x9  }
0xb2: {  	_ =	task.clear_ibuf [dreg:s7], $0x6FFFF;
	_ =	strace $0x90000046  }
0xb3: {  	s29 =	simm.s32 $0x9;
	_ =	strace $0x80000048  }
0xb4: {  	_ =	swait.ge [sflag:s29], $0x1  }
0xb5: {  	[sflag:s29] =	ssyncadd.s32 $0xFFFFFFFF  }
0xb6: {  	_ =	strace $0x90000048  }
0xb7: {  	_ =	sfence  }
0xb8: {  	s30 =	sld [smem:$0x0];
	_ =	sdelay $0x2  }
0xb9: {  	s31 =	sshll.u32 s1, $0xD;
	s1 =	sshrl.u32 s1, $0x2  }
0xba: {  	s3 =	sand.u32 $0x4000, s31;
	s1 =	sadd.s32 s1, s30  }
0xbb: {  	s0 =	sor.u32 s3, s0;
	s1 =	sshll.u32 s1, $0x11  }
0xbc: {  	s0 =	sor.u32 s1, s0  }
0xbd: {  	s0 =	sadd.s32 $0x8F2B, s0  }
0xbe: {  	[sflag:s0] =	ssyncadd.remote.s32 $0x1  }
0xbf: {  	_ =	sfence.sel $0xFFFF  }
0xc0: {  	[dreg:$0x0] =	wrdreg $0xFFFFFFFF;
	(pc) =	sbr.abs _section_cstart, $3  }
0xc1: {  	[dreg:$0x1] =	wrdreg $0xFFFFFFFF  }
0xc2: {  	_ =	task.clear_ibuf [dreg:s7], $0x2FFFF;
	_ =	strace $0x9FFFFFFF  }
0xc3: {  	(tm) =	ssettm $0x7FFFFFFF  }
tec
execute0_lowered:
.L_overlay_start_1:
0x0: {  	(tag) =	ssettag $0x1  }
0x1: {  	s5 =	rddreg [dreg:$0x0]  }
0x2: {  	s4 =	rddreg [dreg:$0x1]  }
0x3: {  	s2 =	rddreg [dreg:$0x2]  }
0x4: {  	s0 =	rddreg [dreg:$0x3]  }
0x5: {  	s3 =	simm.s32 $0x0;
	s6 =	srdreg.scid;
	s1 =	stileid.u32  }
0x6: {  	s11 =	simm.s32 $0x2800;
	s14 =	simm.s32 $0x20;
	s15 =	simm.s32 $0x10  }
0x7: {  	s16 =	simm.s32 $0x0;
	[smem:$0x7FF] =	sst s3;
	s7 =	smul.u32 $0x500, s1  }
0x8: {  	s6 =	sand.u32 $0x1, s6;
	s9 =	sshll.u32 s1, $0x1;
	s30 =	smul.u32 $0xA00, s1  }
0x9: {  	s12 =	sshll.u32 s1, $0x6;
	_ =	strace $0x80000047;
	s8 =	sshll.u32 s6, $0x7  }
0xa: {  	s9 =	sor.u32 s6, s9;
	s6 =	ssub.s32 $0x2, s6;
	s12 =	sor.u32 $0x1C01, s12  }
0xb: {  	s7 =	sor.u32 s8, s7;
	s9 =	smul.u32 $0x500, s9;
	s31 =	sshrl.u32 s6, $0x1  }
0xc: {  	s8 =	sshrl.u32 s30, $0x2;
	s7 =	sshrl.u32 s7, $0x3;
	s10 =	ssub.s32 s6, s31  }
0xd: {  	s7 =	sadd.s32 s7, s4;
	s4 =	sadd.s32 s8, s2;
	s5 =	sadd.s32 s5, s9  }
0xe: {  	s8 =	simm.s32 $0x2880;
	s9 =	simm.s32 $0x1;
	s6 =	sadd.s32 $0x1800, s7  }
0xf: {  	v0 =	vimm.f32 $1.000000000e+00;
	v1 =	vimm.f32 $0.0e+00;
	s7 =	smax.u32 s10, $0x1;
	s10 =	simm.s32 $0x80;
	s13 =	sshrl.u32 s4, $0x3  }
.LBB2_1:
0x10: {  	[tilespmem:$0x2800] =	vst v0  }
0x11: {  	[tilespmem:$0x2810] =	vst v0  }
0x12: {  	[tilespmem:$0x2820] =	vst v0  }
0x13: {  	[tilespmem:$0x2830] =	vst v0  }
0x14: {  	[tilespmem:$0x2840] =	vst v0  }
0x15: {  	[tilespmem:$0x2850] =	vst v0  }
0x16: {  	[tilespmem:$0x2860] =	vst v0  }
0x17: {  	[tilespmem:$0x2870] =	vst v0  }
0x18: {  	[tilespmem:$0x2880] =	vst v1  }
0x19: {  	[tilespmem:$0x2890] =	vst v1  }
0x1a: {  	[tilespmem:$0x28A0] =	vst v1  }
0x1b: {  	[tilespmem:$0x28B0] =	vst v1  }
0x1c: {  	[tilespmem:$0x28C0] =	vst v1  }
0x1d: {  	[tilespmem:$0x28D0] =	vst v1  }
0x1e: {  	[tilespmem:$0x28E0] =	vst v1  }
0x1f: {  	[tilespmem:$0x28F0] =	vst v1  }
0x20: {  	[tilespmem:$0x2900] =	vst v1  }
0x21: {  	[tilespmem:$0x2910] =	vst v1  }
0x22: {  	[tilespmem:$0x2920] =	vst v1  }
0x23: {  	[tilespmem:$0x2930] =	vst v1  }
0x24: {  	[tilespmem:$0x2940] =	vst v1  }
0x25: {  	[tilespmem:$0x2950] =	vst v1  }
0x26: {  	[tilespmem:$0x2960] =	vst v1  }
0x27: {  	[tilespmem:$0x2970] =	vst v1  }
0x28: {  	[tilespmem:$0x2980] =	vst v1  }
0x29: {  	[tilespmem:$0x2990] =	vst v1  }
0x2a: {  	[tilespmem:$0x29A0] =	vst v1  }
0x2b: {  	[tilespmem:$0x29B0] =	vst v1  }
0x2c: {  	[tilespmem:$0x29C0] =	vst v1  }
0x2d: {  	[tilespmem:$0x29D0] =	vst v1  }
0x2e: {  	[tilespmem:$0x29E0] =	vst v1  }
0x2f: {  	[tilespmem:$0x29F0] =	vst v1  }
0x30: {  	[tilespmem:$0x2A00] =	vst v1  }
0x31: {  	[tilespmem:$0x2A10] =	vst v1  }
0x32: {  	[tilespmem:$0x2A20] =	vst v1  }
0x33: {  	[tilespmem:$0x2A30] =	vst v1  }
0x34: {  	[tilespmem:$0x2A40] =	vst v1  }
0x35: {  	[tilespmem:$0x2A50] =	vst v1  }
0x36: {  	[tilespmem:$0x2A60] =	vst v1  }
0x37: {  	[tilespmem:$0x2A70] =	vst v1  }
0x38: {  	[tilespmem:$0x2A80] =	vst v1  }
0x39: {  	[tilespmem:$0x2A90] =	vst v1  }
0x3a: {  	[tilespmem:$0x2AA0] =	vst v1  }
0x3b: {  	[tilespmem:$0x2AB0] =	vst v1  }
0x3c: {  	[tilespmem:$0x2AC0] =	vst v1  }
0x3d: {  	[tilespmem:$0x2AD0] =	vst v1  }
0x3e: {  	[tilespmem:$0x2AE0] =	vst v1  }
0x3f: {  	[tilespmem:$0x2AF0] =	vst v1  }
0x40: {  	[spmem:s4] =	stream.linear.scatter [tilespmem:s8], [sflag:$0x1], $0x280, $0x38;
	[tilespmem:$0x2D80] =	vst v63  }
0x41: {  	_ =	swait.ge [sflag:s9], $0x280  }
0x42: {  	[sflag:s9] =	ssyncset.done $0x0  }
0x43: {  	[sflag:s9] =	ssyncadd.s32 $0xFFFFFD80  }
0x44: {  	[tilespmem:s3], [sflag:$0x1] =	stream.linear.gather [hbm4b:s5+s3], $0x2780, $0x38;
	[tilespmem:$0x2D80] =	vst v63  }
0x45: {  	_ =	swait.ge [sflag:s9], $0x2780  }
0x46: {  	[sflag:s9] =	ssyncset.done $0x0  }
0x47: {  	[sflag:s9] =	ssyncadd.s32 $0xFFFFD880  }
0x48: {  	s17 =	simm.s32 $0x0;
	[bflag:$0x0] =	sbarrier.arrive $0xFFFF  }
0x49: {  	[spmem:s2] =	stream.indirect.scatter.add.f32 [tilespmem:s11], [sflag:$0x1], $0x1, s17, s10, $0xb8;
	[tilespmem:$0x2D80] =	vst v63  }
0x4a: {  	_ =	swait.ge [sflag:s9], $0x80  }
0x4b: {  	s17 =	simm.s32 $0x200;
	[sflag:s9] =	ssyncset.done $0x0  }
.LBB2_2:
0x4c: {  	s18 =	sshra.s32 s17, $0x2;
	[sflag:s9] =	ssyncadd.s32 $0xFFFFFF80;
	p0 =	sne.s32 s17, $0x9C00  }
0x4d: {  	[spmem:s2] =	stream.indirect.scatter.add.f32 [tilespmem:s11], [sflag:$0x1], $0x1, s18, s10, $0xb8;
	[tilespmem:$0x2D80] =	vst v63  }
.Ltmp0:
0x4e: {  	_ = 	snop;
	(pc) =	sbr.rel @p0 .LBB2_2-.Ltmp0, $4  }
0x4f: {  	_ = 	snop  }
0x50: {  	s17 =	sadd.s32 $0x200, s17  }
0x51: {  	_ =	swait.ge [sflag:s9], $0x80  }
0x52: {  	[sflag:s9] =	ssyncset.done $0x0  }
0x53: {  	s16 =	sadd.s32 $0x1, s16  }
0x54: {  	[sflag:s9] =	ssyncadd.s32 $0xFFFFFF80;
	p0 =	sne.s32 s16, s7  }
.Ltmp1:
0x55: {  	[bflag:$0x0] =	sbarrier.arrive $0xFFFF;
	(pc) =	sbr.rel @p0 .LBB2_1-.Ltmp1, $4  }
0x56: {  	[hbm:s6@s14], [sflag:s12] =	dma.strided [spmem:s13@s15], $0x50, s9, $0x10   }
0x57: {  	_ =	swait.ge [sflag:s9], $0x50  }
0x58: {  	[sflag:s9] =	ssyncset.done $0x0  }
0x59: {  	[sflag:s9] =	ssyncadd.s32 $0xFFFFFFB0  }
0x5a: {  	_ =	sfence.sel $0x180000  }
0x5b: {  	[bflag:$0x0] =	sbarrier.arrive $0xFFFF  }
0x5c: {  	p0 =	sne.s32 s1, $0x0;
	_ =	strace $0x90000047  }
0x5d: {  	s0 =	sadd.s32 @!p0 $0x100000, s0;
	[bflag:$0x2] =	sbarrier.arrive $0xFFFF  }
0x5e: {  	[sflag:s0] =	ssyncadd.tile.s32 @!p0 $0x1;
	_ =	shalt  }
.Lfunc_end2:
_tile_overlayer_lowered:
.L_overlay_start_2:
0x5f: {  	(tag) =	ssettag $0x2  }
0x60: {  	s0 =	rddreg [dreg:$0x0];
	s2 =	stileid.u32  }
0x61: {  	s1 =	rddreg [dreg:$0x1];
	p0 =	sne.s32 s2, $0x0  }
0x62: {  	s3 =	rddreg [dreg:$0x2];
	[bflag:$0x3] =	sbarrier.arrive $0xFFFF;
	s2 =	simm.s32 @!p0 $0x1C01  }
0x63: {  	[timem:s3], [sflag:s2] =	dma.local @!p0 [hbm:s0], s1  }
0x64: {  	s0 =	simm.s32 @!p0 $0x1  }
0x65: {  	_ =	swait.ge @!p0 [sflag:s0], s1  }
0x66: {  	s1 =	ssub.s32 @!p0 $0x0, s1;
	[sflag:s0] =	ssyncset.done @!p0 $0x0  }
0x67: {  	[sflag:s0] =	ssyncadd.s32 @!p0 s1  }
0x68: {  	[bflag:$0x3] =	sbarrier.arrive $0xFFFF  }
0x69: {  	_ =	shalt  }

// kernel: kernel.9.cloned.1.call-start
scs
__scs_entry_jumppad:
0x0: {  	(pc) =	sbr.rel $0x88, $3  }
0x1: {  	(tag) =	ssettag $0x0;
	lr =	simm.s32 $0x1  }
0x2: {  	[smem:$0x3F9C] =	sst lr;
	_ =	strace $0xD0000000  }
0x3: {  	_ = 	snop  }
0x4: {  	_ = 	snop  }
0x5: {  	_ = 	snop  }
0x6: {  	_ = 	snop  }
0x7: {  	_ = 	snop  }
__scs_overlays_trampoline_lowered:
0x8: {  	[smem:$0x3FAB] =	sst s0  }
0x9: {  	[smem:$0x3FAC] =	sst s1  }
0xa: {  	[smem:$0x3FAD] =	sst s2  }
0xb: {  	[smem:$0x3FAE] =	sst s3  }
0xc: {  	[smem:$0x3FAF] =	sst s4  }
0xd: {  	[smem:$0x3FB0] =	sst s5  }
0xe: {  	[smem:$0x3FB1] =	sst s6  }
0xf: {  	[smem:$0x3FB2] =	sst s7  }
0x10: {  	[smem:$0x3FB3] =	sst s8  }
0x11: {  	[smem:$0x3FB4] =	sst s9;
	s0 =	simm.s32 @!p0 $0x0  }
0x12: {  	s1 =	sld [smem:$0x3F9A];
	s0 =	simm.s32 @p0 $0x1  }
0x13: {  	[smem:$0x3FB5] =	sst s0;
	s0 =	simm.s32 @!p1 $0x0  }
0x14: {  	s2 =	sld [smem:$0x3F99];
	s0 =	simm.s32 @p1 $0x1  }
0x15: {  	[smem:$0x3FB6] =	sst s0;
	s0 =	simm.s32 @!p2 $0x0  }
0x16: {  	s3 =	sld [smem:$0x3FDB];
	s0 =	simm.s32 @p2 $0x1  }
0x17: {  	s4 =	simm.s32 $0x1BF5;
	[smem:$0x3FB8] =	sst s0  }
0x18: {  	s0 =	sld [smem:$0x3F9B];
	_ =	swait.ge [sflag:s4], $0x0  }
0x19: {  	s7 =	sld [smem:$0x3F9C]  }
0x1a: {  	s8 =	sadd.s32 $0xFFFFE003, lr  }
0x1b: {  	s9 =	sadd.s32 $0xFFFFFEF7, lr;
	s5 =	simm.s32 $0xFFFFFFFF;
	p2 =	slt.u32 s8, $0xFFFFF086  }
0x1c: {  	p1 =	slt.u32 s9, $0xF7A;
	s5 =	simm.s32 @!p2 $0x0  }
0x1d: {  	s5 =	simm.s32 @p1 $0x1;
	p0 =	seq.s32 s7, s2  }
0x1e: {  	s7 =	smul.u32 @!p0 $0xF7A, s2;
	p2 =	seq.s32 @!p0 s5, $0x0  }
0x1f: {  	s9 =	smul.u32 $0xF7A, s1;
	s8 =	simm.s32 @!p0 $0x1BF5;
	p2 =	por !p2, p0  }
0x20: {  	[sflag:s8] =	ssyncset.s32 @!p0 $0xFFFFF086;
	s6 =	sadd.s32 @!p0 s3, s7;
	s7 =	simm.s32 @!p0 $0x108  }
0x21: {  	s3 =	sadd.s32 s3, s9;
	s6 =	sadd.s32 @!p0 $0x88, s6;
	s7 =	simm.s32 @p2 $0x1082  }
0x22: {  	[simem:s7], [sflag:s8] =	dma.local @!p0 [hbm:s6], $0xF7A  }
0x23: {  	s9 =	sor.u32 $0xD0000000, s2;
	s6 =	simm.s32 $0x108;
	_ =	swait.ge @!p0 [sflag:s8], $0x0  }
0x24: {  	s3 =	sadd.s32 $0x88, s3;
	s6 =	simm.s32 @!p1 $0x1082;
	[sflag:s4] =	ssyncset.s32 $0xFFFFF086  }
0x25: {  	[simem:s6], [sflag:s4] =	dma.local [hbm:s3], $0xF7A  }
0x26: {  	[smem:$0x3F9C] =	sst s1;
	(tag) =	ssettag s2;
	_ =	strace s9  }
0x27: {  	s1 =	sld [smem:$0x3FAC]  }
0x28: {  	s2 =	sld [smem:$0x3FAD]  }
0x29: {  	s4 =	sld [smem:$0x3FAF]  }
0x2a: {  	p0 =	seq.s32 s5, $0x0;
	s5 =	sld [smem:$0x3FB0]  }
0x2b: {  	s6 =	sld [smem:$0x3FB1]  }
0x2c: {  	s7 =	sld [smem:$0x3FB2]  }
0x2d: {  	s3 =	simm.s32 $0x108;
	s8 =	sld [smem:$0x3FB3]  }
0x2e: {  	s3 =	simm.s32 @!p0 $0x1082;
	s9 =	sld [smem:$0x3FB4]  }
0x2f: {  	lr =	sadd.s32 s0, s3;
	s0 =	sld [smem:$0x3FAB]  }
0x30: {  	s3 =	sld [smem:$0x3FAE]  }
0x31: {  	[smem:$0x3FB7] =	sst s10  }
0x32: {  	s10 =	sld [smem:$0x3FB5];
	_ =	sdelay $0x3  }
0x33: {  	p0 =	seq.s32 s10, $0x1;
	s10 =	sld [smem:$0x3FB7];
	_ =	sdelay $0x3  }
0x34: {  	[smem:$0x3FB7] =	sst s10  }
0x35: {  	s10 =	sld [smem:$0x3FB6];
	_ =	sdelay $0x3  }
0x36: {  	p1 =	seq.s32 s10, $0x1;
	s10 =	sld [smem:$0x3FB7];
	_ =	sdelay $0x3  }
0x37: {  	[smem:$0x3FB7] =	sst s10  }
0x38: {  	s10 =	sld [smem:$0x3FB8]  }
0x39: {  	_ = 	snop;
	(pc) =	sbr.ind lr, $3  }
0x3a: {  	_ = 	snop  }
0x3b: {  	_ = 	snop  }
0x3c: {  	p2 =	seq.s32 s10, $0x1;
	s10 =	sld [smem:$0x3FB7]  }
0x3d: {  	_ =	shalt  }
0x3e: {  	_ =	shalt  }
0x3f: {  	_ =	shalt  }
0x40: {  	_ =	shalt  }
0x41: {  	_ =	shalt  }
0x42: {  	_ =	shalt  }
0x43: {  	_ =	shalt  }
0x44: {  	_ =	shalt  }
0x45: {  	_ =	shalt  }
0x46: {  	_ =	shalt  }
0x47: {  	_ =	shalt  }
0x48: {  	_ =	shalt  }
0x49: {  	_ =	shalt  }
0x4a: {  	_ =	shalt  }
0x4b: {  	_ =	shalt  }
0x4c: {  	_ =	shalt  }
0x4d: {  	_ =	shalt  }
0x4e: {  	_ =	shalt  }
0x4f: {  	_ =	shalt  }
0x50: {  	_ =	shalt  }
0x51: {  	_ =	shalt  }
0x52: {  	_ =	shalt  }
0x53: {  	_ =	shalt  }
0x54: {  	_ =	shalt  }
0x55: {  	_ =	shalt  }
0x56: {  	_ =	shalt  }
0x57: {  	_ =	shalt  }
0x58: {  	_ =	shalt  }
0x59: {  	_ =	shalt  }
0x5a: {  	_ =	shalt  }
0x5b: {  	_ =	shalt  }
0x5c: {  	_ =	shalt  }
0x5d: {  	_ =	shalt  }
0x5e: {  	_ =	shalt  }
0x5f: {  	_ =	shalt  }
0x60: {  	_ =	shalt  }
0x61: {  	_ =	shalt  }
0x62: {  	_ =	shalt  }
0x63: {  	_ =	shalt  }
0x64: {  	_ =	shalt  }
0x65: {  	_ =	shalt  }
0x66: {  	_ =	shalt  }
0x67: {  	_ =	shalt  }
0x68: {  	_ =	shalt  }
0x69: {  	_ =	shalt  }
0x6a: {  	_ =	shalt  }
0x6b: {  	_ =	shalt  }
0x6c: {  	_ =	shalt  }
0x6d: {  	_ =	shalt  }
0x6e: {  	_ =	shalt  }
0x6f: {  	_ =	shalt  }
0x70: {  	_ =	shalt  }
0x71: {  	_ =	shalt  }
0x72: {  	_ =	shalt  }
0x73: {  	_ =	shalt  }
0x74: {  	_ =	shalt  }
0x75: {  	_ =	shalt  }
0x76: {  	_ =	shalt  }
0x77: {  	_ =	shalt  }
0x78: {  	_ =	shalt  }
0x79: {  	_ =	shalt  }
0x7a: {  	_ =	shalt  }
0x7b: {  	_ =	shalt  }
0x7c: {  	_ =	shalt  }
0x7d: {  	_ =	shalt  }
0x7e: {  	_ =	shalt  }
0x7f: {  	_ =	shalt  }
0x80: {  	_ =	shalt  }
0x81: {  	_ =	shalt  }
0x82: {  	_ =	shalt  }
0x83: {  	_ =	shalt  }
0x84: {  	_ =	shalt  }
0x85: {  	_ =	shalt  }
0x86: {  	_ =	shalt  }
0x87: {  	_ =	shalt  }
.Lfunc_end0:
.L_simem_size_0:
called_computation.1_lowered:
.L_overlay_start_0:
0x88: {  	s2 =	sld [smem:$0x3FD9]  }
0x89: {  	s3 =	sld [smem:$0x3FFE];
	_ =	sdelay $0x1  }
0x8a: {  	s1 =	srdreg.scid  }
0x8b: {  	s0 =	sand.u32 $0x1, s1  }
0x8c: {  	s17 =	sshll.u32 s0, $0xA;
	s2 =	sadd.s32 s3, s2  }
0x8d: {  	s2 =	sadd.s32 s2, s17  }
0x8e: {  	[smem:$0x3FC3] =	sst s2  }
0x8f: {  	_ = 	snop  }
0x90: {  	s2 =	sld [smem:$0x3FD0];
	(tm) =	ssettm $0x1  }
0x91: {  	s18 =	sld [smem:$0x3FFB];
	_ =	sdelay $0x3  }
0x92: {  	_ =	strace s18  }
0x93: {  	s3 =	sld [smem:$0x3FFC];
	_ =	sdelay $0x3  }
0x94: {  	_ =	strace s3  }
0x95: {  	s3 =	sld [smem:$0x3FFD];
	_ =	sdelay $0x3  }
0x96: {  	_ =	strace s3  }
0x97: {  	_ =	strace $0x8FFFFFFF  }
0x98: {  	s19 =	sld [smem:$0x3FDB];
	_ =	sdelay $0x1  }
0x99: {  	s4 =	simm.s32 $_scs_section_size  }
0x9a: {  	s5 =	simm.s32 $_size__tile_overlayer_lowered;
	s6 =	simm.s32 $_tile_overlayer_lowered  }
0x9b: {  	s22 =	simm.s32 $0x1BFF;
	s21 =	sshll.u32 s6, $0x1;
	s3 =	sadd.s32 s4, s19  }
0x9c: {  	s7 =	simm.s32 $0x0;
	s20 =	sshll.u32 s5, $0x1;
	s5 =	sadd.s32 s21, s3  }
0x9d: {  	[timem:s7], [sflag:s22] =	dma.local [hbm:s5], s20  }
0x9e: {  	_ =	swait.ge [sflag:s22], s20  }
0x9f: {  	s4 =	ssub.s32 $0x0, s20;
	[sflag:s22] =	ssyncset.done $0x0  }
0xa0: {  	[sflag:s22] =	ssyncadd.s32 s4;
	_ =	sdelay $0x1  }
0xa1: {  	s23 =	simm.s32 $0x1B8B  }
0xa2: {  	_ =	swait.ge [sflag:s23], $0x1  }
0xa3: {  	[sflag:s23] =	ssyncset.done $0x0  }
0xa4: {  	s25 =	simm.s32 $0x1B8E;
	s24 =	sld [smem:$0x3FFE];
	[sflag:s23] =	ssyncadd.s32 $0xFFFFFFFF  }
0xa5: {  	s26 =	simm.s32 $execute0_lowered;
	[smem:$0x3FD2] =	sst s25  }
0xa6: {  	s5 =	sshll.u32 s26, $0x1;
	_ =	strace $0x80000049;
	[dreg:$0x1] =	wrdreg $0xFFFFFFFF  }
0xa7: {  	s28 =	simm.s32 $_size_execute0_lowered;
	s3 =	sadd.s32 s3, s5;
	[dreg:$0x0] =	wrdreg $0x0  }
0xa8: {  	s5 =	sshll.u32 s28, $0x1;
	[dreg:$0x2] =	wrdreg s3  }
0xa9: {  	[dreg:$0x3] =	wrdreg s5  }
0xaa: {  	[dreg:$0x4] =	wrdreg $0xC0  }
0xab: {  	_ =	task [dreg:s7], $0x5FFFF  }
0xac: {  	[dreg:$0x1] =	wrdreg $0xFFFFFFFF  }
0xad: {  	[dreg:$0x0] =	wrdreg $0x60  }
0xae: {  	[dreg:$0x2] =	wrdreg s2  }
0xaf: {  	[dreg:$0x3] =	wrdreg s24  }
0xb0: {  	[dreg:$0x4] =	wrdreg $0x15E000  }
0xb1: {  	[dreg:$0x5] =	wrdreg $0x9  }
0xb2: {  	_ =	task.clear_ibuf [dreg:s7], $0x6FFFF;
	_ =	strace $0x90000049  }
0xb3: {  	s29 =	simm.s32 $0x9;
	_ =	strace $0x8000004B  }
0xb4: {  	_ =	swait.ge [sflag:s29], $0x1  }
0xb5: {  	[sflag:s29] =	ssyncadd.s32 $0xFFFFFFFF  }
0xb6: {  	_ =	strace $0x9000004B  }
0xb7: {  	_ =	sfence  }
0xb8: {  	s30 =	sld [smem:$0x0];
	_ =	sdelay $0x2  }
0xb9: {  	s31 =	sshll.u32 s1, $0xD;
	s1 =	sshrl.u32 s1, $0x2  }
0xba: {  	s3 =	sand.u32 $0x4000, s31;
	s1 =	sadd.s32 s1, s30  }
0xbb: {  	s0 =	sor.u32 s3, s0;
	s1 =	sshll.u32 s1, $0x11  }
0xbc: {  	s0 =	sor.u32 s1, s0  }
0xbd: {  	s0 =	sadd.s32 $0x8F2B, s0  }
0xbe: {  	[sflag:s0] =	ssyncadd.remote.s32 $0x1  }
0xbf: {  	_ =	sfence.sel $0xFFFF  }
0xc0: {  	[dreg:$0x0] =	wrdreg $0xFFFFFFFF;
	(pc) =	sbr.abs _section_cstart, $3  }
0xc1: {  	[dreg:$0x1] =	wrdreg $0xFFFFFFFF  }
0xc2: {  	_ =	task.clear_ibuf [dreg:s7], $0x2FFFF;
	_ =	strace $0x9FFFFFFF  }
0xc3: {  	(tm) =	ssettm $0x7FFFFFFF  }
tec
execute0_lowered:
.L_overlay_start_1:
0x0: {  	(tag) =	ssettag $0x1  }
0x1: {  	s1 =	rddreg [dreg:$0x0]  }
0x2: {  	s7 =	rddreg [dreg:$0x1]  }
0x3: {  	s3 =	rddreg [dreg:$0x2];
	s4 =	simm.s32 $0x0  }
0x4: {  	s2 =	stileid.u32;
	s5 =	srdreg.scid;
	s16 =	simm.s32 $0x8  }
0x5: {  	s17 =	simm.s32 $0x0;
	[smem:$0x7FF] =	sst s4;
	s6 =	smul.u32 $0x13C0, s2  }
0x6: {  	s14 =	sand.u32 $0x1, s5;
	s5 =	sadd.s32 $0x15E00, s7;
	s11 =	smul.u32 $0xA000, s2  }
0x7: {  	s12 =	sadd.s32 $0x3F200, s7;
	s13 =	sadd.s32 $0x2B200, s7;
	s30 =	sshll.u32 s2, $0x6  }
0x8: {  	_ =	strace $0x8000004A;
	s9 =	ssub.s32 $0x2, s14;
	p0 =	seq.s32 s14, $0x1  }
0x9: {  	p1 =	sne.s32 s14, $0x0;
	s14 =	simm.s32 $0xC;
	s8 =	sadd.s32 s6, s7  }
0xa: {  	s6 =	sadd.s32 $0x29E00, s7;
	s10 =	sshrl.u32 s9, $0x1;
	s15 =	sadd.s32 s11, s3  }
0xb: {  	s7 =	sor.u32 $0x1C0D, s30;
	s31 =	sshrl.u32 s11, $0x3;
	s12 =	smov.u32 @p0 s13  }
0xc: {  	s13 =	simm.s32 $0x80;
	s0 =	simm.s32 @!p0 $0x0;
	p2 =	por !p0, !p0  }
0xd: {  	s9 =	ssub.s32 s9, s10;
	s8 =	sadd.s32 $0x2200, s8;
	s10 =	sadd.s32 s12, s31  }
0xe: {  	s11 =	sshrl.u32 s15, $0x3;
	s12 =	simm.s32 $0xD;
	s0 =	simm.s32 @p0 $0x1  }
0xf: {  	s15 =	simm.s32 $0x7;
	s9 =	smax.u32 s9, $0x1;
	[smem:$0x7FD] =	sst s0  }
.LBB2_1:
0x10: {  	[spmem:s11], [sflag:s7] =	dma.local [hbm:s6], $0x1400  }
0x11: {  	_ =	swait.ge [sflag:s12], $0x1400  }
0x12: {  	[sflag:s12] =	ssyncset.done $0x0  }
0x13: {  	[sflag:s12] =	ssyncadd.s32 $0xFFFFEC00  }
0x14: {  	[tilespmem:s4], [sflag:$0xD] =	stream.linear.gather [hbm4b:s8+s4], $0x9E00, $0x38;
	[tilespmem:$0x1FE00] =	vst v63  }
0x15: {  	_ =	swait.ge [sflag:s12], $0x9E00  }
0x16: {  	[sflag:s12] =	ssyncset.done $0x0  }
0x17: {  	[sflag:s12] =	ssyncadd.s32 $0xFFFF6200  }
0x18: {  	[bflag:$0x0] =	sbarrier.arrive $0xFFFF  }
0x19: {  	s0 =	sld [smem:$0x7FD];
	_ =	sdelay $0x2  }
0x1a: {  	p0 =	seq.s32 s0, $0x1  }
0x1b: {  	s18 =	simm.s32 @p0 $0x80;
	s19 =	simm.s32 @p0 $0x0;
	s20 =	simm.s32 @p0 $0x9E00  }
0x1c: {  	[tilespmem:s20], [sflag:$0x1] =	stream.indirect.gather @p0 [hbm4b:s5+s18], $0x40, s19, s18, $0xb8;
	[tilespmem:$0x1FE00] =	vst v63  }
0x1d: {  	s26 =	simm.s32 $0x3;
	s19 =	simm.s32 @p0 $0xBE00  }
0x1e: {  	[tilespmem:s19], [sflag:$0x2] =	stream.indirect.gather @p0 [hbm4b:s5+s18], $0x40, s18, s18, $0xb8;
	[tilespmem:$0x1FE00] =	vst v63  }
0x1f: {  	s22 =	sand.u32 $0xFF, s26;
	s20 =	simm.s32 @p0 $0xDE00;
	s19 =	simm.s32 @p0 $0x100  }
0x20: {  	[tilespmem:s20], [sflag:$0x3] =	stream.indirect.gather @p0 [hbm4b:s5+s18], $0x40, s19, s18, $0xb8;
	[tilespmem:$0x1FE00] =	vst v63  }
0x21: {  	s18 =	simm.s32 @!p0 $0x80;
	s19 =	simm.s32 @!p0 $0x0;
	s20 =	simm.s32 @!p0 $0x9E00  }
0x22: {  	[tilespmem:s20], [sflag:$0x1] =	stream.indirect.gather @!p0 [hbm4b:s1+s18], $0x40, s19, s18, $0xb8;
	[tilespmem:$0x1FE00] =	vst v63  }
0x23: {  	s25 =	simm.s32 $0x0;
	s22 =	smul.u32 $0xAB, s22;
	s19 =	simm.s32 @!p0 $0xBE00  }
0x24: {  	[tilespmem:s19], [sflag:$0x2] =	stream.indirect.gather @!p0 [hbm4b:s1+s18], $0x40, s18, s18, $0xb8;
	[tilespmem:$0x1FE00] =	vst v63  }
0x25: {  	s24 =	simm.s32 $0x4F00;
	s23 =	sshrl.u32 s22, $0xA;
	s19 =	smul.u32 $0xAB, s25  }
0x26: {  	p3 =	por @!p1 $0x0, $0x0;
	p4 =	por $0x0, $0x0;
	s28 =	smul.u32 $0x6, s23  }
0x27: {  	p5 =	por $0x1, $0x1;
	p4 =	por p4, p2;
	s19 =	sshrl.u32 s19, $0xA  }
0x28: {  	s22 =	simm.s32 @!p4 $0x80;
	s31 =	ssub.s32 $0x3, s28;
	s19 =	sand.u32 $0x3F, s19  }
0x29: {  	s21 =	simm.s32 @!p0 $0xDE00;
	s20 =	simm.s32 @!p0 $0x100;
	s19 =	smul.u32 $0x6, s19  }
0x2a: {  	[tilespmem:s21], [sflag:$0x3] =	stream.indirect.gather @!p0 [hbm4b:s1+s18], $0x40, s20, s18, $0xb8;
	[tilespmem:$0x1FE00] =	vst v63  }
0x2b: {  	s23 =	simm.s32 @!p4 $0x180;
	s28 =	sand.u32 $0xFF, s31;
	s19 =	ssub.s32 $0x0, s19  }
0x2c: {  	s31 =	sshll.u32 @!p4 s28, $0xD;
	s18 =	simm.s32 $0x4;
	s19 =	sand.u32 $0xFF, s19  }
0x2d: {  	p0 =	por @!p1 $0x0, $0x0;
	s20 =	simm.s32 $0x1;
	s25 =	sadd.s32 $0x1, s19  }
0x2e: {  	s21 =	simm.s32 $0x5;
	p0 =	por p0, p0;
	_ =	swait.ge [sflag:s25], $0x2000  }
0x2f: {  	p6 =	por p0, p1;
	s26 =	sshll.u32 s19, $0xD;
	[sflag:s25] =	ssyncset.done $0x0  }
0x30: {  	s29 =	sadd.s32 $0x7, s19;
	s26 =	sadd.s32 $0x9E00, s26;
	[sflag:s25] =	ssyncadd.s32 $0xFFFFE000  }
0x31: {  	[spmem:s3] =	stream.indirect.scatter.add.f32 [tilespmem:s26], [sflag:s29], $0x40, s24, s13, $0xb8;
	[tilespmem:$0x1FE00] =	vst v63  }
0x32: {  	s30 =	sadd.s32 @!p6 $0x1, s28;
	s19 =	simm.s32 $0x4F80;
	s26 =	sadd.s32 @!p5 $0x7, s28  }
0x33: {  	s25 =	simm.s32 @!p6 $0x80;
	s24 =	simm.s32 @!p6 $0x180;
	_ =	swait.ge @!p5 [sflag:s26], $0x2000  }
0x34: {  	s29 =	sshll.u32 @!p6 s28, $0xD;
	s28 =	sadd.s32 @!p4 $0x1, s28;
	[sflag:s26] =	ssyncset.done @!p5 $0x0  }
0x35: {  	s29 =	sadd.s32 @!p6 $0x9E00, s29;
	[sflag:s26] =	ssyncadd.s32 @!p5 $0xFFFFE000;
	s26 =	sadd.s32 @!p4 $0x9E00, s31  }
.LBB2_2:
0x36: {  	[tilespmem:s29], [sflag:s30] =	stream.indirect.gather @!p6 [hbm4b:s1+s25], $0x40, s24, s25, $0xb8;
	[tilespmem:$0x1FE00] =	vst v63  }
0x37: {  	s24 =	smov.u32 s20  }
0x38: {  	s25 =	smov.u32 s18;
	s18 =	smov.u32 s21;
	p6 =	por p3, p3  }
0x39: {  	s21 =	sadd.s32 $0x1, s21;
	s20 =	sadd.s32 $0xFFFFFFFD, s18;
	s29 =	smul.u32 $0xAB, s24  }
0x3a: {  	[tilespmem:s26], [sflag:s28] =	stream.indirect.gather @!p4 [hbm4b:s5+s22], $0x40, s23, s22, $0xb8;
	[tilespmem:$0x1FE00] =	vst v63  }
0x3b: {  	p5 =	sne.s32 s21, $0xA1;
	p3 =	sgt.u32 @!p1 s20, $0x9A;
	s22 =	sshrl.u32 s29, $0xA  }
0x3c: {  	s26 =	smov.u32 s19;
	s22 =	sand.u32 $0x3F, s22  }
0x3d: {  	s23 =	sand.u32 $0xFF, s25;
	s22 =	smul.u32 $0x6, s22  }
0x3e: {  	s23 =	smul.u32 $0xAB, s23  }
0x3f: {  	p0 =	sgt.u32 s24, $0x9A;
	s22 =	ssub.s32 s24, s22  }
0x40: {  	p4 =	por p0, p2;
	s23 =	sshrl.u32 s23, $0xA;
	s28 =	sand.u32 $0xFF, s22  }
0x41: {  	s22 =	simm.s32 @!p4 $0x80;
	s29 =	sadd.s32 $0x1, s28;
	s30 =	sshll.u32 s28, $0xD  }
0x42: {  	p0 =	slt.u32 s24, $0x3;
	s31 =	smul.u32 $0x6, s23;
	_ =	swait.ge [sflag:s29], $0x2000  }
0x43: {  	s23 =	sadd.s32 @!p4 $0xFFFFB280, s19;
	s24 =	sadd.s32 $0x7, s28;
	[sflag:s29] =	ssyncset.done $0x0  }
0x44: {  	s25 =	ssub.s32 s25, s31;
	s28 =	sadd.s32 $0x9E00, s30;
	[sflag:s29] =	ssyncadd.s32 $0xFFFFE000  }
0x45: {  	p6 =	por p6, p1;
	s19 =	sadd.s32 $0x80, s19;
	s31 =	sand.u32 $0xFF, s25  }
0x46: {  	[spmem:s3] =	stream.indirect.scatter.add.f32 [tilespmem:s28], [sflag:s24], $0x40, s26, s13, $0xb8;
	[tilespmem:$0x1FE00] =	vst v63  }
.Ltmp0:
0x47: {  	_ = 	snop;
	(pc) =	sbr.rel @p5 .LBB2_2-.Ltmp0, $4  }
0x48: {  	s25 =	simm.s32 @!p6 $0x80;
	s28 =	sadd.s32 @!p0 $0x7, s31;
	s24 =	sadd.s32 @!p6 $0xFFFFB280, s26  }
0x49: {  	s0 =	sshll.u32 @!p4 s31, $0xD;
	s26 =	sshll.u32 @!p6 s31, $0xD;
	_ =	swait.ge @!p0 [sflag:s28], $0x2000  }
0x4a: {  	s30 =	sadd.s32 @!p6 $0x1, s31;
	s29 =	sadd.s32 @!p6 $0x9E00, s26;
	[sflag:s28] =	ssyncset.done @!p0 $0x0  }
0x4b: {  	s26 =	sadd.s32 @!p4 $0x9E00, s0;
	[sflag:s28] =	ssyncadd.s32 @!p0 $0xFFFFE000;
	s28 =	sadd.s32 @!p4 $0x1, s31  }
0x4c: {  	[tilespmem:s29], [sflag:s30] =	stream.indirect.gather @!p6 [hbm4b:s1+s25], $0x40, s24, s25, $0xb8;
	[tilespmem:$0x1FE00] =	vst v63  }
0x4d: {  	s0 =	smul.u32 $0xAB, s20  }
0x4e: {  	[tilespmem:s26], [sflag:s28] =	stream.indirect.gather @!p4 [hbm4b:s5+s22], $0x40, s23, s22, $0xb8;
	[tilespmem:$0x1FE00] =	vst v63  }
0x4f: {  	s21 =	sand.u32 $0xFF, s18;
	s0 =	sshrl.u32 s0, $0xA  }
0x50: {  	s21 =	smul.u32 $0xAB, s21;
	s0 =	sand.u32 $0x3F, s0  }
0x51: {  	s0 =	smul.u32 $0x6, s0  }
0x52: {  	p0 =	por p3, p3;
	s21 =	sshrl.u32 s21, $0xA  }
0x53: {  	p6 =	sgt.u32 s20, $0x9A;
	s21 =	smul.u32 $0x6, s21;
	s0 =	ssub.s32 s20, s0  }
0x54: {  	p3 =	por p6, p2;
	p0 =	por p0, p1;
	s0 =	sand.u32 $0xFF, s0  }
0x55: {  	p4 =	slt.u32 s20, $0x3;
	s30 =	ssub.s32 s18, s21;
	s28 =	sadd.s32 $0x1, s0  }
0x56: {  	s22 =	simm.s32 @!p0 $0x80;
	s18 =	sand.u32 $0xFF, s30;
	_ =	swait.ge [sflag:s28], $0x2000  }
0x57: {  	s29 =	sshll.u32 s0, $0xD;
	s0 =	sadd.s32 $0x7, s0;
	[sflag:s28] =	ssyncset.done $0x0  }
0x58: {  	s20 =	sadd.s32 @!p4 $0x7, s18;
	s31 =	sadd.s32 $0x9E00, s29;
	[sflag:s28] =	ssyncadd.s32 $0xFFFFE000  }
0x59: {  	[spmem:s3] =	stream.indirect.scatter.add.f32 [tilespmem:s31], [sflag:s0], $0x40, s19, s13, $0xb8;
	[tilespmem:$0x1FE00] =	vst v63  }
0x5a: {  	s21 =	sadd.s32 @!p0 $0xFFFFB280, s19;
	s23 =	sshll.u32 @!p0 s18, $0xD;
	_ =	swait.ge @!p4 [sflag:s20], $0x2000  }
0x5b: {  	s24 =	sshll.u32 @!p3 s18, $0xD;
	s25 =	sadd.s32 @!p0 $0x1, s18;
	[sflag:s20] =	ssyncset.done @!p4 $0x0  }
0x5c: {  	s18 =	sadd.s32 @!p3 $0x1, s18;
	s23 =	sadd.s32 @!p0 $0x9E00, s23;
	[sflag:s20] =	ssyncadd.s32 @!p4 $0xFFFFE000  }
0x5d: {  	[tilespmem:s23], [sflag:s25] =	stream.indirect.gather @!p0 [hbm4b:s1+s22], $0x40, s21, s22, $0xb8;
	[tilespmem:$0x1FE00] =	vst v63  }
0x5e: {  	s0 =	simm.s32 @!p3 $0x80;
	s19 =	sadd.s32 @!p3 $0xFFFFB280, s19;
	s20 =	sadd.s32 @!p3 $0x9E00, s24  }
0x5f: {  	[tilespmem:s20], [sflag:s18] =	stream.indirect.gather @!p3 [hbm4b:s5+s0], $0x40, s19, s0, $0xb8;
	[tilespmem:$0x1FE00] =	vst v63  }
0x60: {  	_ =	swait.ge [sflag:s14], $0x2000  }
0x61: {  	[sflag:s14] =	ssyncset.done $0x0  }
0x62: {  	[sflag:s14] =	ssyncadd.s32 $0xFFFFE000  }
0x63: {  	_ =	swait.ge [sflag:s15], $0x2000  }
0x64: {  	[sflag:s15] =	ssyncset.done $0x0  }
0x65: {  	[sflag:s15] =	ssyncadd.s32 $0xFFFFE000  }
0x66: {  	_ =	swait.ge [sflag:s16], $0x2000  }
0x67: {  	s17 =	sadd.s32 $0x1, s17;
	[sflag:s16] =	ssyncset.done $0x0  }
0x68: {  	p0 =	sne.s32 s17, s9;
	[sflag:s16] =	ssyncadd.s32 $0xFFFFE000  }
.Ltmp1:
0x69: {  	[bflag:$0x0] =	sbarrier.arrive $0xFFFF;
	(pc) =	sbr.rel @p0 .LBB2_1-.Ltmp1, $4  }
0x6a: {  	[hbm:s10], [sflag:s7] =	dma.local [spmem:s11], $0x1400  }
0x6b: {  	_ =	swait.ge [sflag:s12], $0x1400  }
0x6c: {  	[sflag:s12] =	ssyncset.done $0x0  }
0x6d: {  	[sflag:s12] =	ssyncadd.s32 $0xFFFFEC00  }
0x6e: {  	_ =	sfence.sel $0x180000  }
0x6f: {  	[bflag:$0x0] =	sbarrier.arrive $0xFFFF  }
0x70: {  	_ =	strace $0x9000004A  }
0x71: {  	[bflag:$0x2] =	sbarrier.arrive $0xFFFF  }
0x72: {  	p0 =	sne.s32 s2, $0x0;
	s0 =	rddreg [dreg:$0x3]  }
0x73: {  	s0 =	sadd.s32 @!p0 $0x100000, s0  }
0x74: {  	[sflag:s0] =	ssyncadd.tile.s32 @!p0 $0x1;
	_ =	shalt  }
.Lfunc_end2:
_tile_overlayer_lowered:
.L_overlay_start_2:
0x75: {  	(tag) =	ssettag $0x2  }
0x76: {  	s0 =	rddreg [dreg:$0x0];
	s2 =	stileid.u32  }
0x77: {  	s1 =	rddreg [dreg:$0x1];
	p0 =	sne.s32 s2, $0x0  }
0x78: {  	s3 =	rddreg [dreg:$0x2];
	[bflag:$0x3] =	sbarrier.arrive $0xFFFF;
	s2 =	simm.s32 @!p0 $0x1C0D  }
0x79: {  	[timem:s3], [sflag:s2] =	dma.local @!p0 [hbm:s0], s1  }
0x7a: {  	s0 =	simm.s32 @!p0 $0xD  }
0x7b: {  	_ =	swait.ge @!p0 [sflag:s0], s1  }
0x7c: {  	s1 =	ssub.s32 @!p0 $0x0, s1;
	[sflag:s0] =	ssyncset.done @!p0 $0x0  }
0x7d: {  	[sflag:s0] =	ssyncadd.s32 @!p0 s1  }
0x7e: {  	[bflag:$0x3] =	sbarrier.arrive $0xFFFF  }
0x7f: {  	_ =	shalt  }

</sc_bundles>
